<compile_context>
chip_gen: v7x
topology: tpu7x:2x2x1
jax: 0.10.2.dev20260603
libtpu: 0.0.44.dev20260713+nightly
codegen_flags: <defaults>
</compile_context>

<pallas_src>
import functools

import jax
import jax.numpy as jnp
from jax import lax
from jax.experimental import pallas as pl
from jax.experimental.pallas import tpu as pltpu
from jax.experimental.pallas import tpu_sc as plsc

PAD = 1


def _pos_body(inp_ref, out_ref):
    x = inp_ref[...]
    m = jnp.where(x != PAD, 1, 0)
    b, s = x.shape
    cs = m
    k = 1
    while k < s:
        z = jnp.zeros((b, k), jnp.int32)
        cs = cs + jnp.concatenate([z, cs[:, : s - k]], axis=1)
        k *= 2
    out_ref[...] = cs * m + PAD


def _positions(inp):
    return pl.pallas_call(
        _pos_body,
        out_shape=jax.ShapeDtypeStruct(inp.shape, jnp.int32),
    )(inp)


def _sc_gather(positions_flat, weights, n, d):
    NC, NS = 2, 16
    NW = NC * NS
    sl = n // NW
    G = 32
    ng = sl // G

    mesh = plsc.VectorSubcoreMesh(core_axis_name="c", subcore_axis_name="s")

    @functools.partial(
        pl.kernel,
        out_type=jax.ShapeDtypeStruct((n, d), jnp.float32),
        mesh=mesh,
        scratch_types=[
            pltpu.VMEM((sl,), jnp.int32),
            pltpu.VMEM((3, G, d), jnp.float32),
            pltpu.SemaphoreType.DMA,
            pltpu.SemaphoreType.DMA,
            pltpu.SemaphoreType.DMA,
            pltpu.SemaphoreType.DMA,
            pltpu.SemaphoreType.DMA,
            pltpu.SemaphoreType.DMA,
        ],
    )
    def k(idx_hbm, tab_hbm, out_hbm, idx_v, rows_v,
          sg0, sg1, sg2, so0, so1, so2):
        wid = lax.axis_index("s") * NC + lax.axis_index("c")
        base = wid * sl
        pltpu.sync_copy(idx_hbm.at[pl.ds(base, sl)], idx_v)

        r = [rows_v.at[0], rows_v.at[1], rows_v.at[2]]
        sg = [sg0, sg1, sg2]
        so = [so0, so1, so2]

        def gath(g, j):
            pltpu.async_copy(tab_hbm.at[idx_v.at[pl.ds(g * G, G)]], r[j], sg[j])

        def outw(g, j):
            pltpu.async_copy(r[j], out_hbm.at[pl.ds(base + g * G, G)], so[j])

        def wait_g(j):
            pltpu.make_async_copy(tab_hbm.at[pl.ds(0, G)], r[j], sg[j]).wait()

        def wait_o(j):
            pltpu.make_async_copy(r[j], out_hbm.at[pl.ds(base, G)], so[j]).wait()

        for j in range(3):
            gath(j, j)

        def body(h, carry):
            g = 3 * h
            for j in range(3):
                wait_g(j)
                outw(g + j, j)
                wait_o(j)
                gath(g + j + 3, j)
            return carry

        lax.fori_loop(0, (ng - 5) // 3, body, 0)

        gtail = ng - 5
        for j in range(3):
            wait_g(j)
            outw(gtail + j, j)
            if j < 2:
                wait_o(j)
                gath(gtail + j + 3, j)
        for j in range(2):
            wait_g(j)
            outw(ng - 2 + j, j)
        for j in range(3):
            wait_o(j)

    return k(positions_flat, weights)


def kernel(input, weights):
    bsz, seq = input.shape
    nrows, d = weights.shape
    pos = _positions(input).reshape(bsz * seq)
    out = _sc_gather(pos, weights, bsz * seq, d)
    return lax.stop_gradient(out.reshape(bsz, seq, d))

# --- scband reference (transcript-rebuilt; emitter-appended) ---
"""Pipeline reference for scband-sinusoidal-positional-embedding-1786706395841 (READ-ONLY COPY).

The authoritative reference and input builder live on the scoring server;
editing this copy changes nothing except your own understanding.
"""

import jax, jax.numpy as jnp
import numpy as np
import math

EMBED_DIM = 1024
PADDING_IDX = 1
INIT_SIZE = 1568
BSZ = 4
SEQ_LEN = 8192


def get_embedding(num_embeddings, embedding_dim, padding_idx=None):
    half_dim = embedding_dim // 2
    emb = math.log(10000) / (half_dim - 1)
    emb = jnp.exp(jnp.arange(half_dim, dtype=jnp.float32) * -emb)
    emb = jnp.arange(num_embeddings, dtype=jnp.float32)[:, None] * emb[None, :]
    emb = jnp.concatenate([jnp.sin(emb), jnp.cos(emb)], axis=1).reshape(num_embeddings, -1)
    if embedding_dim % 2 == 1:
        emb = jnp.concatenate([emb, jnp.zeros((num_embeddings, 1), dtype=jnp.float32)], axis=1)
    if padding_idx is not None:
        emb = emb.at[padding_idx, :].set(0.0)
    return emb


def setup_inputs(seed: int = 0) -> dict:
    key = jax.random.key(seed)
    inp = jax.random.randint(key, (BSZ, SEQ_LEN), 0, 30000, dtype=jnp.int32)
    max_pos = PADDING_IDX + 1 + SEQ_LEN
    num_rows = max(INIT_SIZE, max_pos)
    weights = get_embedding(num_rows, EMBED_DIM, PADDING_IDX)
    return {"input": inp, "weights": weights}


def make_positions(tensor, padding_idx):
    mask = (tensor != padding_idx).astype(jnp.int32)
    return (jnp.cumsum(mask, axis=1) * mask).astype(jnp.int32) + padding_idx


def reference(input, weights):
    bsz, seq_len = input.shape
    positions = make_positions(input, PADDING_IDX)
    out = jnp.take(weights, positions.reshape(-1), axis=0).reshape(bsz, seq_len, -1)
    # torch forward returns .detach()
    return jax.lax.stop_gradient(out)

if __name__ == "__main__":
    import jax
    _d = setup_inputs()
    print(jax.jit(kernel)(*tuple(_d.values())))

</pallas_src>

<mosaic_0001>
#map = affine_map<(d0, d1) -> (0)>
#map1 = affine_map<(d0, d1) -> (0, 0)>
module attributes {stable_mosaic.version = 14 : i64} {
  func.func @k(%arg0: i32, %arg1: i32, %arg2: memref<32768xi32, #tpu.memory_space<hbm>>, %arg3: memref<8194x1024xf32, #tpu.memory_space<hbm>>, %arg4: memref<32768x1024xf32, #tpu.memory_space<hbm>>, %arg5: memref<1024xi32, #tpu.memory_space<vmem>>, %arg6: memref<3x32x1024xf32, #tpu.memory_space<vmem>>, %arg7: memref<!tpu.dma_semaphore, #tpu.memory_space<semaphore_mem>>, %arg8: memref<!tpu.dma_semaphore, #tpu.memory_space<semaphore_mem>>, %arg9: memref<!tpu.dma_semaphore, #tpu.memory_space<semaphore_mem>>, %arg10: memref<!tpu.dma_semaphore, #tpu.memory_space<semaphore_mem>>, %arg11: memref<!tpu.dma_semaphore, #tpu.memory_space<semaphore_mem>>, %arg12: memref<!tpu.dma_semaphore, #tpu.memory_space<semaphore_mem>>) attributes {dimension_semantics = [#tpu.dimension_semantics<core_parallel>, #tpu.dimension_semantics<subcore_parallel>], iteration_bounds = array<i64: 2, 16>, scalar_prefetch = 0 : i64, scratch_operands = 8 : i64, tpu.core_type = #tpu.core_type<sc_vector_subcore>, window_params = [{transform_indices = #map}, {transform_indices = #map1}, {transform_indices = #map1}]} {
    %mul3A = arith.constant 2 : i32
    %mul3A_0 = arith.muli %arg1, %mul3A : i32
    %add3A = arith.addi %mul3A_0, %arg0 : i32
    %mul3A_1 = arith.constant 1024 : i32
    %mul3A_2 = arith.muli %add3A, %mul3A_1 : i32
    "tpu.region"() ({
      %run_scoped3A = tpu.sem_alloc : memref<!tpu.dma_semaphore, #tpu.memory_space<semaphore_mem>>
      %dma_start3A_274 = tpu.memref_slice %arg2[%mul3A_2] : memref<32768xi32, #tpu.memory_space<hbm>> -> memref<1024xi32, #tpu.memory_space<hbm>>
      %dma_start3A_275 = tpu.memref_slice %arg2[%mul3A_2] : memref<32768xi32, #tpu.memory_space<hbm>> -> memref<1024xi32, #tpu.memory_space<hbm>>
      tpu.enqueue_dma source(%dma_start3A_275 : memref<1024xi32, #tpu.memory_space<hbm>>) target(%arg5 : memref<1024xi32, #tpu.memory_space<vmem>>) target_semaphore(%run_scoped3A : memref<!tpu.dma_semaphore, #tpu.memory_space<semaphore_mem>>)
      %dma_wait3A_276 = tpu.memref_slice %arg2[%mul3A_2] : memref<32768xi32, #tpu.memory_space<hbm>> -> memref<1024xi32, #tpu.memory_space<hbm>>
      %dma_wait3A_277 = tpu.memref_slice %arg2[%mul3A_2] : memref<32768xi32, #tpu.memory_space<hbm>> -> memref<1024xi32, #tpu.memory_space<hbm>>
      tpu.wait_dma2 semaphore(%run_scoped3A : memref<!tpu.dma_semaphore, #tpu.memory_space<semaphore_mem>>) src(%dma_wait3A_277 : memref<1024xi32, #tpu.memory_space<hbm>>) dst(%arg5 : memref<1024xi32, #tpu.memory_space<vmem>>)
      tpu.yield
    }) : () -> ()
    %dma_start3A = arith.constant 0 : i32
    %dma_start3A_3 = arith.constant 0 : i32
    %dma_start3A_4 = arith.constant 0 : i32
    %dma_start3A_5 = tpu.memref_slice %arg6[%dma_start3A, %dma_start3A_3, %dma_start3A_4] : memref<3x32x1024xf32, #tpu.memory_space<vmem>> -> memref<1x32x1024xf32, #tpu.memory_space<vmem>>
    %dma_start3A_6 = tpu.memref_squeeze %dma_start3A_5 : memref<1x32x1024xf32, #tpu.memory_space<vmem>> -> memref<32x1024xf32, #tpu.memory_space<vmem>>
    %dma_start3A_7 = arith.constant 0 : i32
    %dma_start3A_8 = tpu.memref_slice %arg5[%dma_start3A_7] : memref<1024xi32, #tpu.memory_space<vmem>> -> memref<32xi32, #tpu.memory_space<vmem>>
    %dma_start3A_9 = arith.constant 0 : i32
    %dma_start3A_10 = arith.constant 0 : i32
    %dma_start3A_11 = tpu.memref_slice %arg3[%dma_start3A_9, %dma_start3A_10] : memref<8194x1024xf32, #tpu.memory_space<hbm>> -> memref<8194x1024xf32, #tpu.memory_space<hbm>>
    tpu.enqueue_indirect_dma source(%dma_start3A_11 : memref<8194x1024xf32, #tpu.memory_space<hbm>>) target(%dma_start3A_6 : memref<32x1024xf32, #tpu.memory_space<vmem>>) offsets(%dma_start3A_8 : memref<32xi32, #tpu.memory_space<vmem>>) semaphore(%arg7 : memref<!tpu.dma_semaphore, #tpu.memory_space<semaphore_mem>>)
    %dma_start3A_12 = arith.constant 1 : i32
    %dma_start3A_13 = arith.constant 0 : i32
    %dma_start3A_14 = arith.constant 0 : i32
    %dma_start3A_15 = tpu.memref_slice %arg6[%dma_start3A_12, %dma_start3A_13, %dma_start3A_14] : memref<3x32x1024xf32, #tpu.memory_space<vmem>> -> memref<1x32x1024xf32, #tpu.memory_space<vmem>>
    %dma_start3A_16 = tpu.memref_squeeze %dma_start3A_15 : memref<1x32x1024xf32, #tpu.memory_space<vmem>> -> memref<32x1024xf32, #tpu.memory_space<vmem>>
    %dma_start3A_17 = arith.constant 32 : i32
    %dma_start3A_18 = tpu.memref_slice %arg5[%dma_start3A_17] : memref<1024xi32, #tpu.memory_space<vmem>> -> memref<32xi32, #tpu.memory_space<vmem>>
    %dma_start3A_19 = arith.constant 0 : i32
    %dma_start3A_20 = arith.constant 0 : i32
    %dma_start3A_21 = tpu.memref_slice %arg3[%dma_start3A_19, %dma_start3A_20] : memref<8194x1024xf32, #tpu.memory_space<hbm>> -> memref<8194x1024xf32, #tpu.memory_space<hbm>>
    tpu.enqueue_indirect_dma source(%dma_start3A_21 : memref<8194x1024xf32, #tpu.memory_space<hbm>>) target(%dma_start3A_16 : memref<32x1024xf32, #tpu.memory_space<vmem>>) offsets(%dma_start3A_18 : memref<32xi32, #tpu.memory_space<vmem>>) semaphore(%arg8 : memref<!tpu.dma_semaphore, #tpu.memory_space<semaphore_mem>>)
    %dma_start3A_22 = arith.constant 2 : i32
    %dma_start3A_23 = arith.constant 0 : i32
    %dma_start3A_24 = arith.constant 0 : i32
    %dma_start3A_25 = tpu.memref_slice %arg6[%dma_start3A_22, %dma_start3A_23, %dma_start3A_24] : memref<3x32x1024xf32, #tpu.memory_space<vmem>> -> memref<1x32x1024xf32, #tpu.memory_space<vmem>>
    %dma_start3A_26 = tpu.memref_squeeze %dma_start3A_25 : memref<1x32x1024xf32, #tpu.memory_space<vmem>> -> memref<32x1024xf32, #tpu.memory_space<vmem>>
    %dma_start3A_27 = arith.constant 64 : i32
    %dma_start3A_28 = tpu.memref_slice %arg5[%dma_start3A_27] : memref<1024xi32, #tpu.memory_space<vmem>> -> memref<32xi32, #tpu.memory_space<vmem>>
    %dma_start3A_29 = arith.constant 0 : i32
    %dma_start3A_30 = arith.constant 0 : i32
    %dma_start3A_31 = tpu.memref_slice %arg3[%dma_start3A_29, %dma_start3A_30] : memref<8194x1024xf32, #tpu.memory_space<hbm>> -> memref<8194x1024xf32, #tpu.memory_space<hbm>>
    tpu.enqueue_indirect_dma source(%dma_start3A_31 : memref<8194x1024xf32, #tpu.memory_space<hbm>>) target(%dma_start3A_26 : memref<32x1024xf32, #tpu.memory_space<vmem>>) offsets(%dma_start3A_28 : memref<32xi32, #tpu.memory_space<vmem>>) semaphore(%arg9 : memref<!tpu.dma_semaphore, #tpu.memory_space<semaphore_mem>>)
    %scan3A = arith.constant 0 : i32
    %scan3A_32 = arith.constant 0 : i32
    %scan3A_33 = arith.constant 1 : i32
    %scan3A_34 = arith.constant 2 : i32
    %scan3A_35 = arith.constant 0 : i32
    %scan3A_36 = arith.constant 9 : i32
    %scan3A_37 = arith.addi %scan3A_35, %scan3A_36 : i32
    %scan3A_38 = arith.constant 1 : i32
    scf.for %scan3A_274 = %scan3A_35 to %scan3A_37 step %scan3A_38  : i32 {
      %mul3A_275 = arith.constant 3 : i32
      %mul3A_276 = arith.muli %mul3A_275, %scan3A_274 : i32
      %dma_wait3A_277 = arith.constant 0 : i32
      %dma_wait3A_278 = arith.constant 0 : i32
      %dma_wait3A_279 = tpu.memref_slice %arg6[%scan3A_32, %dma_wait3A_277, %dma_wait3A_278] : memref<3x32x1024xf32, #tpu.memory_space<vmem>> -> memref<1x32x1024xf32, #tpu.memory_space<vmem>>
      %dma_wait3A_280 = tpu.memref_squeeze %dma_wait3A_279 : memref<1x32x1024xf32, #tpu.memory_space<vmem>> -> memref<32x1024xf32, #tpu.memory_space<vmem>>
      %dma_wait3A_281 = arith.constant 0 : i32
      %dma_wait3A_282 = arith.constant 0 : i32
      %dma_wait3A_283 = tpu.memref_slice %arg3[%dma_wait3A_281, %dma_wait3A_282] : memref<8194x1024xf32, #tpu.memory_space<hbm>> -> memref<32x1024xf32, #tpu.memory_space<hbm>>
      %dma_wait3A_284 = arith.constant 0 : i32
      %dma_wait3A_285 = arith.constant 0 : i32
      %dma_wait3A_286 = tpu.memref_slice %arg6[%scan3A_32, %dma_wait3A_284, %dma_wait3A_285] : memref<3x32x1024xf32, #tpu.memory_space<vmem>> -> memref<1x32x1024xf32, #tpu.memory_space<vmem>>
      %dma_wait3A_287 = tpu.memref_squeeze %dma_wait3A_286 : memref<1x32x1024xf32, #tpu.memory_space<vmem>> -> memref<32x1024xf32, #tpu.memory_space<vmem>>
      %dma_wait3A_288 = arith.constant 0 : i32
      %dma_wait3A_289 = arith.constant 0 : i32
      %dma_wait3A_290 = tpu.memref_slice %arg3[%dma_wait3A_288, %dma_wait3A_289] : memref<8194x1024xf32, #tpu.memory_space<hbm>> -> memref<32x1024xf32, #tpu.memory_space<hbm>>
      tpu.wait_dma2 semaphore(%arg7 : memref<!tpu.dma_semaphore, #tpu.memory_space<semaphore_mem>>) src(%dma_wait3A_290 : memref<32x1024xf32, #tpu.memory_space<hbm>>) dst(%dma_wait3A_287 : memref<32x1024xf32, #tpu.memory_space<vmem>>)
      %add3A_291 = arith.constant 0 : i32
      %add3A_292 = arith.addi %mul3A_276, %add3A_291 : i32
      %mul3A_293 = arith.constant 32 : i32
      %mul3A_294 = arith.muli %add3A_292, %mul3A_293 : i32
      %add3A_295 = arith.addi %mul3A_2, %mul3A_294 : i32
      %dma_start3A_296 = arith.constant 0 : i32
      %dma_start3A_297 = arith.constant 0 : i32
      %dma_start3A_298 = tpu.memref_slice %arg6[%scan3A_32, %dma_start3A_296, %dma_start3A_297] : memref<3x32x1024xf32, #tpu.memory_space<vmem>> -> memref<1x32x1024xf32, #tpu.memory_space<vmem>>
      %dma_start3A_299 = tpu.memref_squeeze %dma_start3A_298 : memref<1x32x1024xf32, #tpu.memory_space<vmem>> -> memref<32x1024xf32, #tpu.memory_space<vmem>>
      %dma_start3A_300 = arith.constant 0 : i32
      %dma_start3A_301 = tpu.memref_slice %arg4[%add3A_295, %dma_start3A_300] : memref<32768x1024xf32, #tpu.memory_space<hbm>> -> memref<32x1024xf32, #tpu.memory_space<hbm>>
      %dma_start3A_302 = arith.constant 0 : i32
      %dma_start3A_303 = tpu.memref_slice %arg4[%add3A_295, %dma_start3A_302] : memref<32768x1024xf32, #tpu.memory_space<hbm>> -> memref<32x1024xf32, #tpu.memory_space<hbm>>
      %dma_start3A_304 = arith.constant 0 : i32
      %dma_start3A_305 = arith.constant 0 : i32
      %dma_start3A_306 = tpu.memref_slice %arg6[%scan3A_32, %dma_start3A_304, %dma_start3A_305] : memref<3x32x1024xf32, #tpu.memory_space<vmem>> -> memref<1x32x1024xf32, #tpu.memory_space<vmem>>
      %dma_start3A_307 = tpu.memref_squeeze %dma_start3A_306 : memref<1x32x1024xf32, #tpu.memory_space<vmem>> -> memref<32x1024xf32, #tpu.memory_space<vmem>>
      tpu.enqueue_dma source(%dma_start3A_307 : memref<32x1024xf32, #tpu.memory_space<vmem>>) target(%dma_start3A_303 : memref<32x1024xf32, #tpu.memory_space<hbm>>) target_semaphore(%arg10 : memref<!tpu.dma_semaphore, #tpu.memory_space<semaphore_mem>>)
      %dma_wait3A_308 = arith.constant 0 : i32
      %dma_wait3A_309 = arith.constant 0 : i32
      %dma_wait3A_310 = tpu.memref_slice %arg6[%scan3A_32, %dma_wait3A_308, %dma_wait3A_309] : memref<3x32x1024xf32, #tpu.memory_space<vmem>> -> memref<1x32x1024xf32, #tpu.memory_space<vmem>>
      %dma_wait3A_311 = tpu.memref_squeeze %dma_wait3A_310 : memref<1x32x1024xf32, #tpu.memory_space<vmem>> -> memref<32x1024xf32, #tpu.memory_space<vmem>>
      %dma_wait3A_312 = arith.constant 0 : i32
      %dma_wait3A_313 = tpu.memref_slice %arg4[%mul3A_2, %dma_wait3A_312] : memref<32768x1024xf32, #tpu.memory_space<hbm>> -> memref<32x1024xf32, #tpu.memory_space<hbm>>
      %dma_wait3A_314 = arith.constant 0 : i32
      %dma_wait3A_315 = tpu.memref_slice %arg4[%mul3A_2, %dma_wait3A_314] : memref<32768x1024xf32, #tpu.memory_space<hbm>> -> memref<32x1024xf32, #tpu.memory_space<hbm>>
      %dma_wait3A_316 = arith.constant 0 : i32
      %dma_wait3A_317 = arith.constant 0 : i32
      %dma_wait3A_318 = tpu.memref_slice %arg6[%scan3A_32, %dma_wait3A_316, %dma_wait3A_317] : memref<3x32x1024xf32, #tpu.memory_space<vmem>> -> memref<1x32x1024xf32, #tpu.memory_space<vmem>>
      %dma_wait3A_319 = tpu.memref_squeeze %dma_wait3A_318 : memref<1x32x1024xf32, #tpu.memory_space<vmem>> -> memref<32x1024xf32, #tpu.memory_space<vmem>>
      tpu.wait_dma2 semaphore(%arg10 : memref<!tpu.dma_semaphore, #tpu.memory_space<semaphore_mem>>) src(%dma_wait3A_319 : memref<32x1024xf32, #tpu.memory_space<vmem>>) dst(%dma_wait3A_315 : memref<32x1024xf32, #tpu.memory_space<hbm>>)
      %add3A_320 = arith.constant 0 : i32
      %add3A_321 = arith.addi %mul3A_276, %add3A_320 : i32
      %add3A_322 = arith.constant 3 : i32
      %add3A_323 = arith.addi %add3A_321, %add3A_322 : i32
      %mul3A_324 = arith.constant 32 : i32
      %mul3A_325 = arith.muli %add3A_323, %mul3A_324 : i32
      %dma_start3A_326 = arith.constant 0 : i32
      %dma_start3A_327 = arith.constant 0 : i32
      %dma_start3A_328 = tpu.memref_slice %arg6[%scan3A_32, %dma_start3A_326, %dma_start3A_327] : memref<3x32x1024xf32, #tpu.memory_space<vmem>> -> memref<1x32x1024xf32, #tpu.memory_space<vmem>>
      %dma_start3A_329 = tpu.memref_squeeze %dma_start3A_328 : memref<1x32x1024xf32, #tpu.memory_space<vmem>> -> memref<32x1024xf32, #tpu.memory_space<vmem>>
      %dma_start3A_330 = tpu.memref_slice %arg5[%mul3A_325] : memref<1024xi32, #tpu.memory_space<vmem>> -> memref<32xi32, #tpu.memory_space<vmem>>
      %dma_start3A_331 = arith.constant 0 : i32
      %dma_start3A_332 = arith.constant 0 : i32
      %dma_start3A_333 = tpu.memref_slice %arg3[%dma_start3A_331, %dma_start3A_332] : memref<8194x1024xf32, #tpu.memory_space<hbm>> -> memref<8194x1024xf32, #tpu.memory_space<hbm>>
      tpu.enqueue_indirect_dma source(%dma_start3A_333 : memref<8194x1024xf32, #tpu.memory_space<hbm>>) target(%dma_start3A_329 : memref<32x1024xf32, #tpu.memory_space<vmem>>) offsets(%dma_start3A_330 : memref<32xi32, #tpu.memory_space<vmem>>) semaphore(%arg7 : memref<!tpu.dma_semaphore, #tpu.memory_space<semaphore_mem>>)
      %dma_wait3A_334 = arith.constant 0 : i32
      %dma_wait3A_335 = arith.constant 0 : i32
      %dma_wait3A_336 = tpu.memref_slice %arg6[%scan3A_33, %dma_wait3A_334, %dma_wait3A_335] : memref<3x32x1024xf32, #tpu.memory_space<vmem>> -> memref<1x32x1024xf32, #tpu.memory_space<vmem>>
      %dma_wait3A_337 = tpu.memref_squeeze %dma_wait3A_336 : memref<1x32x1024xf32, #tpu.memory_space<vmem>> -> memref<32x1024xf32, #tpu.memory_space<vmem>>
      %dma_wait3A_338 = arith.constant 0 : i32
      %dma_wait3A_339 = arith.constant 0 : i32
      %dma_wait3A_340 = tpu.memref_slice %arg3[%dma_wait3A_338, %dma_wait3A_339] : memref<8194x1024xf32, #tpu.memory_space<hbm>> -> memref<32x1024xf32, #tpu.memory_space<hbm>>
      %dma_wait3A_341 = arith.constant 0 : i32
      %dma_wait3A_342 = arith.constant 0 : i32
      %dma_wait3A_343 = tpu.memref_slice %arg6[%scan3A_33, %dma_wait3A_341, %dma_wait3A_342] : memref<3x32x1024xf32, #tpu.memory_space<vmem>> -> memref<1x32x1024xf32, #tpu.memory_space<vmem>>
      %dma_wait3A_344 = tpu.memref_squeeze %dma_wait3A_343 : memref<1x32x1024xf32, #tpu.memory_space<vmem>> -> memref<32x1024xf32, #tpu.memory_space<vmem>>
      %dma_wait3A_345 = arith.constant 0 : i32
      %dma_wait3A_346 = arith.constant 0 : i32
      %dma_wait3A_347 = tpu.memref_slice %arg3[%dma_wait3A_345, %dma_wait3A_346] : memref<8194x1024xf32, #tpu.memory_space<hbm>> -> memref<32x1024xf32, #tpu.memory_space<hbm>>
      tpu.wait_dma2 semaphore(%arg8 : memref<!tpu.dma_semaphore, #tpu.memory_space<semaphore_mem>>) src(%dma_wait3A_347 : memref<32x1024xf32, #tpu.memory_space<hbm>>) dst(%dma_wait3A_344 : memref<32x1024xf32, #tpu.memory_space<vmem>>)
      %add3A_348 = arith.constant 1 : i32
      %add3A_349 = arith.addi %mul3A_276, %add3A_348 : i32
      %mul3A_350 = arith.constant 32 : i32
      %mul3A_351 = arith.muli %add3A_349, %mul3A_350 : i32
      %add3A_352 = arith.addi %mul3A_2, %mul3A_351 : i32
      %dma_start3A_353 = arith.constant 0 : i32
      %dma_start3A_354 = arith.constant 0 : i32
      %dma_start3A_355 = tpu.memref_slice %arg6[%scan3A_33, %dma_start3A_353, %dma_start3A_354] : memref<3x32x1024xf32, #tpu.memory_space<vmem>> -> memref<1x32x1024xf32, #tpu.memory_space<vmem>>
      %dma_start3A_356 = tpu.memref_squeeze %dma_start3A_355 : memref<1x32x1024xf32, #tpu.memory_space<vmem>> -> memref<32x1024xf32, #tpu.memory_space<vmem>>
      %dma_start3A_357 = arith.constant 0 : i32
      %dma_start3A_358 = tpu.memref_slice %arg4[%add3A_352, %dma_start3A_357] : memref<32768x1024xf32, #tpu.memory_space<hbm>> -> memref<32x1024xf32, #tpu.memory_space<hbm>>
      %dma_start3A_359 = arith.constant 0 : i32
      %dma_start3A_360 = tpu.memref_slice %arg4[%add3A_352, %dma_start3A_359] : memref<32768x1024xf32, #tpu.memory_space<hbm>> -> memref<32x1024xf32, #tpu.memory_space<hbm>>
      %dma_start3A_361 = arith.constant 0 : i32
      %dma_start3A_362 = arith.constant 0 : i32
      %dma_start3A_363 = tpu.memref_slice %arg6[%scan3A_33, %dma_start3A_361, %dma_start3A_362] : memref<3x32x1024xf32, #tpu.memory_space<vmem>> -> memref<1x32x1024xf32, #tpu.memory_space<vmem>>
      %dma_start3A_364 = tpu.memref_squeeze %dma_start3A_363 : memref<1x32x1024xf32, #tpu.memory_space<vmem>> -> memref<32x1024xf32, #tpu.memory_space<vmem>>
      tpu.enqueue_dma source(%dma_start3A_364 : memref<32x1024xf32, #tpu.memory_space<vmem>>) target(%dma_start3A_360 : memref<32x1024xf32, #tpu.memory_space<hbm>>) target_semaphore(%arg11 : memref<!tpu.dma_semaphore, #tpu.memory_space<semaphore_mem>>)
      %dma_wait3A_365 = arith.constant 0 : i32
      %dma_wait3A_366 = arith.constant 0 : i32
      %dma_wait3A_367 = tpu.memref_slice %arg6[%scan3A_33, %dma_wait3A_365, %dma_wait3A_366] : memref<3x32x1024xf32, #tpu.memory_space<vmem>> -> memref<1x32x1024xf32, #tpu.memory_space<vmem>>
      %dma_wait3A_368 = tpu.memref_squeeze %dma_wait3A_367 : memref<1x32x1024xf32, #tpu.memory_space<vmem>> -> memref<32x1024xf32, #tpu.memory_space<vmem>>
      %dma_wait3A_369 = arith.constant 0 : i32
      %dma_wait3A_370 = tpu.memref_slice %arg4[%mul3A_2, %dma_wait3A_369] : memref<32768x1024xf32, #tpu.memory_space<hbm>> -> memref<32x1024xf32, #tpu.memory_space<hbm>>
      %dma_wait3A_371 = arith.constant 0 : i32
      %dma_wait3A_372 = tpu.memref_slice %arg4[%mul3A_2, %dma_wait3A_371] : memref<32768x1024xf32, #tpu.memory_space<hbm>> -> memref<32x1024xf32, #tpu.memory_space<hbm>>
      %dma_wait3A_373 = arith.constant 0 : i32
      %dma_wait3A_374 = arith.constant 0 : i32
      %dma_wait3A_375 = tpu.memref_slice %arg6[%scan3A_33, %dma_wait3A_373, %dma_wait3A_374] : memref<3x32x1024xf32, #tpu.memory_space<vmem>> -> memref<1x32x1024xf32, #tpu.memory_space<vmem>>
      %dma_wait3A_376 = tpu.memref_squeeze %dma_wait3A_375 : memref<1x32x1024xf32, #tpu.memory_space<vmem>> -> memref<32x1024xf32, #tpu.memory_space<vmem>>
      tpu.wait_dma2 semaphore(%arg11 : memref<!tpu.dma_semaphore, #tpu.memory_space<semaphore_mem>>) src(%dma_wait3A_376 : memref<32x1024xf32, #tpu.memory_space<vmem>>) dst(%dma_wait3A_372 : memref<32x1024xf32, #tpu.memory_space<hbm>>)
      %add3A_377 = arith.constant 1 : i32
      %add3A_378 = arith.addi %mul3A_276, %add3A_377 : i32
      %add3A_379 = arith.constant 3 : i32
      %add3A_380 = arith.addi %add3A_378, %add3A_379 : i32
      %mul3A_381 = arith.constant 32 : i32
      %mul3A_382 = arith.muli %add3A_380, %mul3A_381 : i32
      %dma_start3A_383 = arith.constant 0 : i32
      %dma_start3A_384 = arith.constant 0 : i32
      %dma_start3A_385 = tpu.memref_slice %arg6[%scan3A_33, %dma_start3A_383, %dma_start3A_384] : memref<3x32x1024xf32, #tpu.memory_space<vmem>> -> memref<1x32x1024xf32, #tpu.memory_space<vmem>>
      %dma_start3A_386 = tpu.memref_squeeze %dma_start3A_385 : memref<1x32x1024xf32, #tpu.memory_space<vmem>> -> memref<32x1024xf32, #tpu.memory_space<vmem>>
      %dma_start3A_387 = tpu.memref_slice %arg5[%mul3A_382] : memref<1024xi32, #tpu.memory_space<vmem>> -> memref<32xi32, #tpu.memory_space<vmem>>
      %dma_start3A_388 = arith.constant 0 : i32
      %dma_start3A_389 = arith.constant 0 : i32
      %dma_start3A_390 = tpu.memref_slice %arg3[%dma_start3A_388, %dma_start3A_389] : memref<8194x1024xf32, #tpu.memory_space<hbm>> -> memref<8194x1024xf32, #tpu.memory_space<hbm>>
      tpu.enqueue_indirect_dma source(%dma_start3A_390 : memref<8194x1024xf32, #tpu.memory_space<hbm>>) target(%dma_start3A_386 : memref<32x1024xf32, #tpu.memory_space<vmem>>) offsets(%dma_start3A_387 : memref<32xi32, #tpu.memory_space<vmem>>) semaphore(%arg8 : memref<!tpu.dma_semaphore, #tpu.memory_space<semaphore_mem>>)
      %dma_wait3A_391 = arith.constant 0 : i32
      %dma_wait3A_392 = arith.constant 0 : i32
      %dma_wait3A_393 = tpu.memref_slice %arg6[%scan3A_34, %dma_wait3A_391, %dma_wait3A_392] : memref<3x32x1024xf32, #tpu.memory_space<vmem>> -> memref<1x32x1024xf32, #tpu.memory_space<vmem>>
      %dma_wait3A_394 = tpu.memref_squeeze %dma_wait3A_393 : memref<1x32x1024xf32, #tpu.memory_space<vmem>> -> memref<32x1024xf32, #tpu.memory_space<vmem>>
      %dma_wait3A_395 = arith.constant 0 : i32
      %dma_wait3A_396 = arith.constant 0 : i32
      %dma_wait3A_397 = tpu.memref_slice %arg3[%dma_wait3A_395, %dma_wait3A_396] : memref<8194x1024xf32, #tpu.memory_space<hbm>> -> memref<32x1024xf32, #tpu.memory_space<hbm>>
      %dma_wait3A_398 = arith.constant 0 : i32
      %dma_wait3A_399 = arith.constant 0 : i32
      %dma_wait3A_400 = tpu.memref_slice %arg6[%scan3A_34, %dma_wait3A_398, %dma_wait3A_399] : memref<3x32x1024xf32, #tpu.memory_space<vmem>> -> memref<1x32x1024xf32, #tpu.memory_space<vmem>>
      %dma_wait3A_401 = tpu.memref_squeeze %dma_wait3A_400 : memref<1x32x1024xf32, #tpu.memory_space<vmem>> -> memref<32x1024xf32, #tpu.memory_space<vmem>>
      %dma_wait3A_402 = arith.constant 0 : i32
      %dma_wait3A_403 = arith.constant 0 : i32
      %dma_wait3A_404 = tpu.memref_slice %arg3[%dma_wait3A_402, %dma_wait3A_403] : memref<8194x1024xf32, #tpu.memory_space<hbm>> -> memref<32x1024xf32, #tpu.memory_space<hbm>>
      tpu.wait_dma2 semaphore(%arg9 : memref<!tpu.dma_semaphore, #tpu.memory_space<semaphore_mem>>) src(%dma_wait3A_404 : memref<32x1024xf32, #tpu.memory_space<hbm>>) dst(%dma_wait3A_401 : memref<32x1024xf32, #tpu.memory_space<vmem>>)
      %add3A_405 = arith.constant 2 : i32
      %add3A_406 = arith.addi %mul3A_276, %add3A_405 : i32
      %mul3A_407 = arith.constant 32 : i32
      %mul3A_408 = arith.muli %add3A_406, %mul3A_407 : i32
      %add3A_409 = arith.addi %mul3A_2, %mul3A_408 : i32
      %dma_start3A_410 = arith.constant 0 : i32
      %dma_start3A_411 = arith.constant 0 : i32
      %dma_start3A_412 = tpu.memref_slice %arg6[%scan3A_34, %dma_start3A_410, %dma_start3A_411] : memref<3x32x1024xf32, #tpu.memory_space<vmem>> -> memref<1x32x1024xf32, #tpu.memory_space<vmem>>
      %dma_start3A_413 = tpu.memref_squeeze %dma_start3A_412 : memref<1x32x1024xf32, #tpu.memory_space<vmem>> -> memref<32x1024xf32, #tpu.memory_space<vmem>>
      %dma_start3A_414 = arith.constant 0 : i32
      %dma_start3A_415 = tpu.memref_slice %arg4[%add3A_409, %dma_start3A_414] : memref<32768x1024xf32, #tpu.memory_space<hbm>> -> memref<32x1024xf32, #tpu.memory_space<hbm>>
      %dma_start3A_416 = arith.constant 0 : i32
      %dma_start3A_417 = tpu.memref_slice %arg4[%add3A_409, %dma_start3A_416] : memref<32768x1024xf32, #tpu.memory_space<hbm>> -> memref<32x1024xf32, #tpu.memory_space<hbm>>
      %dma_start3A_418 = arith.constant 0 : i32
      %dma_start3A_419 = arith.constant 0 : i32
      %dma_start3A_420 = tpu.memref_slice %arg6[%scan3A_34, %dma_start3A_418, %dma_start3A_419] : memref<3x32x1024xf32, #tpu.memory_space<vmem>> -> memref<1x32x1024xf32, #tpu.memory_space<vmem>>
      %dma_start3A_421 = tpu.memref_squeeze %dma_start3A_420 : memref<1x32x1024xf32, #tpu.memory_space<vmem>> -> memref<32x1024xf32, #tpu.memory_space<vmem>>
      tpu.enqueue_dma source(%dma_start3A_421 : memref<32x1024xf32, #tpu.memory_space<vmem>>) target(%dma_start3A_417 : memref<32x1024xf32, #tpu.memory_space<hbm>>) target_semaphore(%arg12 : memref<!tpu.dma_semaphore, #tpu.memory_space<semaphore_mem>>)
      %dma_wait3A_422 = arith.constant 0 : i32
      %dma_wait3A_423 = arith.constant 0 : i32
      %dma_wait3A_424 = tpu.memref_slice %arg6[%scan3A_34, %dma_wait3A_422, %dma_wait3A_423] : memref<3x32x1024xf32, #tpu.memory_space<vmem>> -> memref<1x32x1024xf32, #tpu.memory_space<vmem>>
      %dma_wait3A_425 = tpu.memref_squeeze %dma_wait3A_424 : memref<1x32x1024xf32, #tpu.memory_space<vmem>> -> memref<32x1024xf32, #tpu.memory_space<vmem>>
      %dma_wait3A_426 = arith.constant 0 : i32
      %dma_wait3A_427 = tpu.memref_slice %arg4[%mul3A_2, %dma_wait3A_426] : memref<32768x1024xf32, #tpu.memory_space<hbm>> -> memref<32x1024xf32, #tpu.memory_space<hbm>>
      %dma_wait3A_428 = arith.constant 0 : i32
      %dma_wait3A_429 = tpu.memref_slice %arg4[%mul3A_2, %dma_wait3A_428] : memref<32768x1024xf32, #tpu.memory_space<hbm>> -> memref<32x1024xf32, #tpu.memory_space<hbm>>
      %dma_wait3A_430 = arith.constant 0 : i32
      %dma_wait3A_431 = arith.constant 0 : i32
      %dma_wait3A_432 = tpu.memref_slice %arg6[%scan3A_34, %dma_wait3A_430, %dma_wait3A_431] : memref<3x32x1024xf32, #tpu.memory_space<vmem>> -> memref<1x32x1024xf32, #tpu.memory_space<vmem>>
      %dma_wait3A_433 = tpu.memref_squeeze %dma_wait3A_432 : memref<1x32x1024xf32, #tpu.memory_space<vmem>> -> memref<32x1024xf32, #tpu.memory_space<vmem>>
      tpu.wait_dma2 semaphore(%arg12 : memref<!tpu.dma_semaphore, #tpu.memory_space<semaphore_mem>>) src(%dma_wait3A_433 : memref<32x1024xf32, #tpu.memory_space<vmem>>) dst(%dma_wait3A_429 : memref<32x1024xf32, #tpu.memory_space<hbm>>)
      %add3A_434 = arith.constant 2 : i32
      %add3A_435 = arith.addi %mul3A_276, %add3A_434 : i32
      %add3A_436 = arith.constant 3 : i32
      %add3A_437 = arith.addi %add3A_435, %add3A_436 : i32
      %mul3A_438 = arith.constant 32 : i32
      %mul3A_439 = arith.muli %add3A_437, %mul3A_438 : i32
      %dma_start3A_440 = arith.constant 0 : i32
      %dma_start3A_441 = arith.constant 0 : i32
      %dma_start3A_442 = tpu.memref_slice %arg6[%scan3A_34, %dma_start3A_440, %dma_start3A_441] : memref<3x32x1024xf32, #tpu.memory_space<vmem>> -> memref<1x32x1024xf32, #tpu.memory_space<vmem>>
      %dma_start3A_443 = tpu.memref_squeeze %dma_start3A_442 : memref<1x32x1024xf32, #tpu.memory_space<vmem>> -> memref<32x1024xf32, #tpu.memory_space<vmem>>
      %dma_start3A_444 = tpu.memref_slice %arg5[%mul3A_439] : memref<1024xi32, #tpu.memory_space<vmem>> -> memref<32xi32, #tpu.memory_space<vmem>>
      %dma_start3A_445 = arith.constant 0 : i32
      %dma_start3A_446 = arith.constant 0 : i32
      %dma_start3A_447 = tpu.memref_slice %arg3[%dma_start3A_445, %dma_start3A_446] : memref<8194x1024xf32, #tpu.memory_space<hbm>> -> memref<8194x1024xf32, #tpu.memory_space<hbm>>
      tpu.enqueue_indirect_dma source(%dma_start3A_447 : memref<8194x1024xf32, #tpu.memory_space<hbm>>) target(%dma_start3A_443 : memref<32x1024xf32, #tpu.memory_space<vmem>>) offsets(%dma_start3A_444 : memref<32xi32, #tpu.memory_space<vmem>>) semaphore(%arg9 : memref<!tpu.dma_semaphore, #tpu.memory_space<semaphore_mem>>)
    }
    %scan3A_39 = arith.constant 9 : i32
    %dma_wait3A = arith.constant 0 : i32
    %dma_wait3A_40 = arith.constant 0 : i32
    %dma_wait3A_41 = arith.constant 0 : i32
    %dma_wait3A_42 = tpu.memref_slice %arg6[%dma_wait3A, %dma_wait3A_40, %dma_wait3A_41] : memref<3x32x1024xf32, #tpu.memory_space<vmem>> -> memref<1x32x1024xf32, #tpu.memory_space<vmem>>
    %dma_wait3A_43 = tpu.memref_squeeze %dma_wait3A_42 : memref<1x32x1024xf32, #tpu.memory_space<vmem>> -> memref<32x1024xf32, #tpu.memory_space<vmem>>
    %dma_wait3A_44 = arith.constant 0 : i32
    %dma_wait3A_45 = arith.constant 0 : i32
    %dma_wait3A_46 = tpu.memref_slice %arg3[%dma_wait3A_44, %dma_wait3A_45] : memref<8194x1024xf32, #tpu.memory_space<hbm>> -> memref<32x1024xf32, #tpu.memory_space<hbm>>
    %dma_wait3A_47 = arith.constant 0 : i32
    %dma_wait3A_48 = arith.constant 0 : i32
    %dma_wait3A_49 = tpu.memref_slice %arg6[%dma_wait3A, %dma_wait3A_47, %dma_wait3A_48] : memref<3x32x1024xf32, #tpu.memory_space<vmem>> -> memref<1x32x1024xf32, #tpu.memory_space<vmem>>
    %dma_wait3A_50 = tpu.memref_squeeze %dma_wait3A_49 : memref<1x32x1024xf32, #tpu.memory_space<vmem>> -> memref<32x1024xf32, #tpu.memory_space<vmem>>
    %dma_wait3A_51 = arith.constant 0 : i32
    %dma_wait3A_52 = arith.constant 0 : i32
    %dma_wait3A_53 = tpu.memref_slice %arg3[%dma_wait3A_51, %dma_wait3A_52] : memref<8194x1024xf32, #tpu.memory_space<hbm>> -> memref<32x1024xf32, #tpu.memory_space<hbm>>
    tpu.wait_dma2 semaphore(%arg7 : memref<!tpu.dma_semaphore, #tpu.memory_space<semaphore_mem>>) src(%dma_wait3A_53 : memref<32x1024xf32, #tpu.memory_space<hbm>>) dst(%dma_wait3A_50 : memref<32x1024xf32, #tpu.memory_space<vmem>>)
    %add3A_54 = arith.constant 864 : i32
    %add3A_55 = arith.addi %mul3A_2, %add3A_54 : i32
    %dma_start3A_56 = arith.constant 0 : i32
    %dma_start3A_57 = arith.constant 0 : i32
    %dma_start3A_58 = arith.constant 0 : i32
    %dma_start3A_59 = tpu.memref_slice %arg6[%dma_start3A_56, %dma_start3A_57, %dma_start3A_58] : memref<3x32x1024xf32, #tpu.memory_space<vmem>> -> memref<1x32x1024xf32, #tpu.memory_space<vmem>>
    %dma_start3A_60 = tpu.memref_squeeze %dma_start3A_59 : memref<1x32x1024xf32, #tpu.memory_space<vmem>> -> memref<32x1024xf32, #tpu.memory_space<vmem>>
    %dma_start3A_61 = arith.constant 0 : i32
    %dma_start3A_62 = tpu.memref_slice %arg4[%add3A_55, %dma_start3A_61] : memref<32768x1024xf32, #tpu.memory_space<hbm>> -> memref<32x1024xf32, #tpu.memory_space<hbm>>
    %dma_start3A_63 = arith.constant 0 : i32
    %dma_start3A_64 = tpu.memref_slice %arg4[%add3A_55, %dma_start3A_63] : memref<32768x1024xf32, #tpu.memory_space<hbm>> -> memref<32x1024xf32, #tpu.memory_space<hbm>>
    %dma_start3A_65 = arith.constant 0 : i32
    %dma_start3A_66 = arith.constant 0 : i32
    %dma_start3A_67 = tpu.memref_slice %arg6[%dma_start3A_56, %dma_start3A_65, %dma_start3A_66] : memref<3x32x1024xf32, #tpu.memory_space<vmem>> -> memref<1x32x1024xf32, #tpu.memory_space<vmem>>
    %dma_start3A_68 = tpu.memref_squeeze %dma_start3A_67 : memref<1x32x1024xf32, #tpu.memory_space<vmem>> -> memref<32x1024xf32, #tpu.memory_space<vmem>>
    tpu.enqueue_dma source(%dma_start3A_68 : memref<32x1024xf32, #tpu.memory_space<vmem>>) target(%dma_start3A_64 : memref<32x1024xf32, #tpu.memory_space<hbm>>) target_semaphore(%arg10 : memref<!tpu.dma_semaphore, #tpu.memory_space<semaphore_mem>>)
    %dma_wait3A_69 = arith.constant 0 : i32
    %dma_wait3A_70 = arith.constant 0 : i32
    %dma_wait3A_71 = arith.constant 0 : i32
    %dma_wait3A_72 = tpu.memref_slice %arg6[%dma_wait3A_69, %dma_wait3A_70, %dma_wait3A_71] : memref<3x32x1024xf32, #tpu.memory_space<vmem>> -> memref<1x32x1024xf32, #tpu.memory_space<vmem>>
    %dma_wait3A_73 = tpu.memref_squeeze %dma_wait3A_72 : memref<1x32x1024xf32, #tpu.memory_space<vmem>> -> memref<32x1024xf32, #tpu.memory_space<vmem>>
    %dma_wait3A_74 = arith.constant 0 : i32
    %dma_wait3A_75 = tpu.memref_slice %arg4[%mul3A_2, %dma_wait3A_74] : memref<32768x1024xf32, #tpu.memory_space<hbm>> -> memref<32x1024xf32, #tpu.memory_space<hbm>>
    %dma_wait3A_76 = arith.constant 0 : i32
    %dma_wait3A_77 = tpu.memref_slice %arg4[%mul3A_2, %dma_wait3A_76] : memref<32768x1024xf32, #tpu.memory_space<hbm>> -> memref<32x1024xf32, #tpu.memory_space<hbm>>
    %dma_wait3A_78 = arith.constant 0 : i32
    %dma_wait3A_79 = arith.constant 0 : i32
    %dma_wait3A_80 = tpu.memref_slice %arg6[%dma_wait3A_69, %dma_wait3A_78, %dma_wait3A_79] : memref<3x32x1024xf32, #tpu.memory_space<vmem>> -> memref<1x32x1024xf32, #tpu.memory_space<vmem>>
    %dma_wait3A_81 = tpu.memref_squeeze %dma_wait3A_80 : memref<1x32x1024xf32, #tpu.memory_space<vmem>> -> memref<32x1024xf32, #tpu.memory_space<vmem>>
    tpu.wait_dma2 semaphore(%arg10 : memref<!tpu.dma_semaphore, #tpu.memory_space<semaphore_mem>>) src(%dma_wait3A_81 : memref<32x1024xf32, #tpu.memory_space<vmem>>) dst(%dma_wait3A_77 : memref<32x1024xf32, #tpu.memory_space<hbm>>)
    %dma_start3A_82 = arith.constant 0 : i32
    %dma_start3A_83 = arith.constant 0 : i32
    %dma_start3A_84 = arith.constant 0 : i32
    %dma_start3A_85 = tpu.memref_slice %arg6[%dma_start3A_82, %dma_start3A_83, %dma_start3A_84] : memref<3x32x1024xf32, #tpu.memory_space<vmem>> -> memref<1x32x1024xf32, #tpu.memory_space<vmem>>
    %dma_start3A_86 = tpu.memref_squeeze %dma_start3A_85 : memref<1x32x1024xf32, #tpu.memory_space<vmem>> -> memref<32x1024xf32, #tpu.memory_space<vmem>>
    %dma_start3A_87 = arith.constant 960 : i32
    %dma_start3A_88 = tpu.memref_slice %arg5[%dma_start3A_87] : memref<1024xi32, #tpu.memory_space<vmem>> -> memref<32xi32, #tpu.memory_space<vmem>>
    %dma_start3A_89 = arith.constant 0 : i32
    %dma_start3A_90 = arith.constant 0 : i32
    %dma_start3A_91 = tpu.memref_slice %arg3[%dma_start3A_89, %dma_start3A_90] : memref<8194x1024xf32, #tpu.memory_space<hbm>> -> memref<8194x1024xf32, #tpu.memory_space<hbm>>
    tpu.enqueue_indirect_dma source(%dma_start3A_91 : memref<8194x1024xf32, #tpu.memory_space<hbm>>) target(%dma_start3A_86 : memref<32x1024xf32, #tpu.memory_space<vmem>>) offsets(%dma_start3A_88 : memref<32xi32, #tpu.memory_space<vmem>>) semaphore(%arg7 : memref<!tpu.dma_semaphore, #tpu.memory_space<semaphore_mem>>)
    %dma_wait3A_92 = arith.constant 1 : i32
    %dma_wait3A_93 = arith.constant 0 : i32
    %dma_wait3A_94 = arith.constant 0 : i32
    %dma_wait3A_95 = tpu.memref_slice %arg6[%dma_wait3A_92, %dma_wait3A_93, %dma_wait3A_94] : memref<3x32x1024xf32, #tpu.memory_space<vmem>> -> memref<1x32x1024xf32, #tpu.memory_space<vmem>>
    %dma_wait3A_96 = tpu.memref_squeeze %dma_wait3A_95 : memref<1x32x1024xf32, #tpu.memory_space<vmem>> -> memref<32x1024xf32, #tpu.memory_space<vmem>>
    %dma_wait3A_97 = arith.constant 0 : i32
    %dma_wait3A_98 = arith.constant 0 : i32
    %dma_wait3A_99 = tpu.memref_slice %arg3[%dma_wait3A_97, %dma_wait3A_98] : memref<8194x1024xf32, #tpu.memory_space<hbm>> -> memref<32x1024xf32, #tpu.memory_space<hbm>>
    %dma_wait3A_100 = arith.constant 0 : i32
    %dma_wait3A_101 = arith.constant 0 : i32
    %dma_wait3A_102 = tpu.memref_slice %arg6[%dma_wait3A_92, %dma_wait3A_100, %dma_wait3A_101] : memref<3x32x1024xf32, #tpu.memory_space<vmem>> -> memref<1x32x1024xf32, #tpu.memory_space<vmem>>
    %dma_wait3A_103 = tpu.memref_squeeze %dma_wait3A_102 : memref<1x32x1024xf32, #tpu.memory_space<vmem>> -> memref<32x1024xf32, #tpu.memory_space<vmem>>
    %dma_wait3A_104 = arith.constant 0 : i32
    %dma_wait3A_105 = arith.constant 0 : i32
    %dma_wait3A_106 = tpu.memref_slice %arg3[%dma_wait3A_104, %dma_wait3A_105] : memref<8194x1024xf32, #tpu.memory_space<hbm>> -> memref<32x1024xf32, #tpu.memory_space<hbm>>
    tpu.wait_dma2 semaphore(%arg8 : memref<!tpu.dma_semaphore, #tpu.memory_space<semaphore_mem>>) src(%dma_wait3A_106 : memref<32x1024xf32, #tpu.memory_space<hbm>>) dst(%dma_wait3A_103 : memref<32x1024xf32, #tpu.memory_space<vmem>>)
    %add3A_107 = arith.constant 896 : i32
    %add3A_108 = arith.addi %mul3A_2, %add3A_107 : i32
    %dma_start3A_109 = arith.constant 1 : i32
    %dma_start3A_110 = arith.constant 0 : i32
    %dma_start3A_111 = arith.constant 0 : i32
    %dma_start3A_112 = tpu.memref_slice %arg6[%dma_start3A_109, %dma_start3A_110, %dma_start3A_111] : memref<3x32x1024xf32, #tpu.memory_space<vmem>> -> memref<1x32x1024xf32, #tpu.memory_space<vmem>>
    %dma_start3A_113 = tpu.memref_squeeze %dma_start3A_112 : memref<1x32x1024xf32, #tpu.memory_space<vmem>> -> memref<32x1024xf32, #tpu.memory_space<vmem>>
    %dma_start3A_114 = arith.constant 0 : i32
    %dma_start3A_115 = tpu.memref_slice %arg4[%add3A_108, %dma_start3A_114] : memref<32768x1024xf32, #tpu.memory_space<hbm>> -> memref<32x1024xf32, #tpu.memory_space<hbm>>
    %dma_start3A_116 = arith.constant 0 : i32
    %dma_start3A_117 = tpu.memref_slice %arg4[%add3A_108, %dma_start3A_116] : memref<32768x1024xf32, #tpu.memory_space<hbm>> -> memref<32x1024xf32, #tpu.memory_space<hbm>>
    %dma_start3A_118 = arith.constant 0 : i32
    %dma_start3A_119 = arith.constant 0 : i32
    %dma_start3A_120 = tpu.memref_slice %arg6[%dma_start3A_109, %dma_start3A_118, %dma_start3A_119] : memref<3x32x1024xf32, #tpu.memory_space<vmem>> -> memref<1x32x1024xf32, #tpu.memory_space<vmem>>
    %dma_start3A_121 = tpu.memref_squeeze %dma_start3A_120 : memref<1x32x1024xf32, #tpu.memory_space<vmem>> -> memref<32x1024xf32, #tpu.memory_space<vmem>>
    tpu.enqueue_dma source(%dma_start3A_121 : memref<32x1024xf32, #tpu.memory_space<vmem>>) target(%dma_start3A_117 : memref<32x1024xf32, #tpu.memory_space<hbm>>) target_semaphore(%arg11 : memref<!tpu.dma_semaphore, #tpu.memory_space<semaphore_mem>>)
    %dma_wait3A_122 = arith.constant 1 : i32
    %dma_wait3A_123 = arith.constant 0 : i32
    %dma_wait3A_124 = arith.constant 0 : i32
    %dma_wait3A_125 = tpu.memref_slice %arg6[%dma_wait3A_122, %dma_wait3A_123, %dma_wait3A_124] : memref<3x32x1024xf32, #tpu.memory_space<vmem>> -> memref<1x32x1024xf32, #tpu.memory_space<vmem>>
    %dma_wait3A_126 = tpu.memref_squeeze %dma_wait3A_125 : memref<1x32x1024xf32, #tpu.memory_space<vmem>> -> memref<32x1024xf32, #tpu.memory_space<vmem>>
    %dma_wait3A_127 = arith.constant 0 : i32
    %dma_wait3A_128 = tpu.memref_slice %arg4[%mul3A_2, %dma_wait3A_127] : memref<32768x1024xf32, #tpu.memory_space<hbm>> -> memref<32x1024xf32, #tpu.memory_space<hbm>>
    %dma_wait3A_129 = arith.constant 0 : i32
    %dma_wait3A_130 = tpu.memref_slice %arg4[%mul3A_2, %dma_wait3A_129] : memref<32768x1024xf32, #tpu.memory_space<hbm>> -> memref<32x1024xf32, #tpu.memory_space<hbm>>
    %dma_wait3A_131 = arith.constant 0 : i32
    %dma_wait3A_132 = arith.constant 0 : i32
    %dma_wait3A_133 = tpu.memref_slice %arg6[%dma_wait3A_122, %dma_wait3A_131, %dma_wait3A_132] : memref<3x32x1024xf32, #tpu.memory_space<vmem>> -> memref<1x32x1024xf32, #tpu.memory_space<vmem>>
    %dma_wait3A_134 = tpu.memref_squeeze %dma_wait3A_133 : memref<1x32x1024xf32, #tpu.memory_space<vmem>> -> memref<32x1024xf32, #tpu.memory_space<vmem>>
    tpu.wait_dma2 semaphore(%arg11 : memref<!tpu.dma_semaphore, #tpu.memory_space<semaphore_mem>>) src(%dma_wait3A_134 : memref<32x1024xf32, #tpu.memory_space<vmem>>) dst(%dma_wait3A_130 : memref<32x1024xf32, #tpu.memory_space<hbm>>)
    %dma_start3A_135 = arith.constant 1 : i32
    %dma_start3A_136 = arith.constant 0 : i32
    %dma_start3A_137 = arith.constant 0 : i32
    %dma_start3A_138 = tpu.memref_slice %arg6[%dma_start3A_135, %dma_start3A_136, %dma_start3A_137] : memref<3x32x1024xf32, #tpu.memory_space<vmem>> -> memref<1x32x1024xf32, #tpu.memory_space<vmem>>
    %dma_start3A_139 = tpu.memref_squeeze %dma_start3A_138 : memref<1x32x1024xf32, #tpu.memory_space<vmem>> -> memref<32x1024xf32, #tpu.memory_space<vmem>>
    %dma_start3A_140 = arith.constant 992 : i32
    %dma_start3A_141 = tpu.memref_slice %arg5[%dma_start3A_140] : memref<1024xi32, #tpu.memory_space<vmem>> -> memref<32xi32, #tpu.memory_space<vmem>>
    %dma_start3A_142 = arith.constant 0 : i32
    %dma_start3A_143 = arith.constant 0 : i32
    %dma_start3A_144 = tpu.memref_slice %arg3[%dma_start3A_142, %dma_start3A_143] : memref<8194x1024xf32, #tpu.memory_space<hbm>> -> memref<8194x1024xf32, #tpu.memory_space<hbm>>
    tpu.enqueue_indirect_dma source(%dma_start3A_144 : memref<8194x1024xf32, #tpu.memory_space<hbm>>) target(%dma_start3A_139 : memref<32x1024xf32, #tpu.memory_space<vmem>>) offsets(%dma_start3A_141 : memref<32xi32, #tpu.memory_space<vmem>>) semaphore(%arg8 : memref<!tpu.dma_semaphore, #tpu.memory_space<semaphore_mem>>)
    %dma_wait3A_145 = arith.constant 2 : i32
    %dma_wait3A_146 = arith.constant 0 : i32
    %dma_wait3A_147 = arith.constant 0 : i32
    %dma_wait3A_148 = tpu.memref_slice %arg6[%dma_wait3A_145, %dma_wait3A_146, %dma_wait3A_147] : memref<3x32x1024xf32, #tpu.memory_space<vmem>> -> memref<1x32x1024xf32, #tpu.memory_space<vmem>>
    %dma_wait3A_149 = tpu.memref_squeeze %dma_wait3A_148 : memref<1x32x1024xf32, #tpu.memory_space<vmem>> -> memref<32x1024xf32, #tpu.memory_space<vmem>>
    %dma_wait3A_150 = arith.constant 0 : i32
    %dma_wait3A_151 = arith.constant 0 : i32
    %dma_wait3A_152 = tpu.memref_slice %arg3[%dma_wait3A_150, %dma_wait3A_151] : memref<8194x1024xf32, #tpu.memory_space<hbm>> -> memref<32x1024xf32, #tpu.memory_space<hbm>>
    %dma_wait3A_153 = arith.constant 0 : i32
    %dma_wait3A_154 = arith.constant 0 : i32
    %dma_wait3A_155 = tpu.memref_slice %arg6[%dma_wait3A_145, %dma_wait3A_153, %dma_wait3A_154] : memref<3x32x1024xf32, #tpu.memory_space<vmem>> -> memref<1x32x1024xf32, #tpu.memory_space<vmem>>
    %dma_wait3A_156 = tpu.memref_squeeze %dma_wait3A_155 : memref<1x32x1024xf32, #tpu.memory_space<vmem>> -> memref<32x1024xf32, #tpu.memory_space<vmem>>
    %dma_wait3A_157 = arith.constant 0 : i32
    %dma_wait3A_158 = arith.constant 0 : i32
    %dma_wait3A_159 = tpu.memref_slice %arg3[%dma_wait3A_157, %dma_wait3A_158] : memref<8194x1024xf32, #tpu.memory_space<hbm>> -> memref<32x1024xf32, #tpu.memory_space<hbm>>
    tpu.wait_dma2 semaphore(%arg9 : memref<!tpu.dma_semaphore, #tpu.memory_space<semaphore_mem>>) src(%dma_wait3A_159 : memref<32x1024xf32, #tpu.memory_space<hbm>>) dst(%dma_wait3A_156 : memref<32x1024xf32, #tpu.memory_space<vmem>>)
    %add3A_160 = arith.constant 928 : i32
    %add3A_161 = arith.addi %mul3A_2, %add3A_160 : i32
    %dma_start3A_162 = arith.constant 2 : i32
    %dma_start3A_163 = arith.constant 0 : i32
    %dma_start3A_164 = arith.constant 0 : i32
    %dma_start3A_165 = tpu.memref_slice %arg6[%dma_start3A_162, %dma_start3A_163, %dma_start3A_164] : memref<3x32x1024xf32, #tpu.memory_space<vmem>> -> memref<1x32x1024xf32, #tpu.memory_space<vmem>>
    %dma_start3A_166 = tpu.memref_squeeze %dma_start3A_165 : memref<1x32x1024xf32, #tpu.memory_space<vmem>> -> memref<32x1024xf32, #tpu.memory_space<vmem>>
    %dma_start3A_167 = arith.constant 0 : i32
    %dma_start3A_168 = tpu.memref_slice %arg4[%add3A_161, %dma_start3A_167] : memref<32768x1024xf32, #tpu.memory_space<hbm>> -> memref<32x1024xf32, #tpu.memory_space<hbm>>
    %dma_start3A_169 = arith.constant 0 : i32
    %dma_start3A_170 = tpu.memref_slice %arg4[%add3A_161, %dma_start3A_169] : memref<32768x1024xf32, #tpu.memory_space<hbm>> -> memref<32x1024xf32, #tpu.memory_space<hbm>>
    %dma_start3A_171 = arith.constant 0 : i32
    %dma_start3A_172 = arith.constant 0 : i32
    %dma_start3A_173 = tpu.memref_slice %arg6[%dma_start3A_162, %dma_start3A_171, %dma_start3A_172] : memref<3x32x1024xf32, #tpu.memory_space<vmem>> -> memref<1x32x1024xf32, #tpu.memory_space<vmem>>
    %dma_start3A_174 = tpu.memref_squeeze %dma_start3A_173 : memref<1x32x1024xf32, #tpu.memory_space<vmem>> -> memref<32x1024xf32, #tpu.memory_space<vmem>>
    tpu.enqueue_dma source(%dma_start3A_174 : memref<32x1024xf32, #tpu.memory_space<vmem>>) target(%dma_start3A_170 : memref<32x1024xf32, #tpu.memory_space<hbm>>) target_semaphore(%arg12 : memref<!tpu.dma_semaphore, #tpu.memory_space<semaphore_mem>>)
    %dma_wait3A_175 = arith.constant 0 : i32
    %dma_wait3A_176 = arith.constant 0 : i32
    %dma_wait3A_177 = arith.constant 0 : i32
    %dma_wait3A_178 = tpu.memref_slice %arg6[%dma_wait3A_175, %dma_wait3A_176, %dma_wait3A_177] : memref<3x32x1024xf32, #tpu.memory_space<vmem>> -> memref<1x32x1024xf32, #tpu.memory_space<vmem>>
    %dma_wait3A_179 = tpu.memref_squeeze %dma_wait3A_178 : memref<1x32x1024xf32, #tpu.memory_space<vmem>> -> memref<32x1024xf32, #tpu.memory_space<vmem>>
    %dma_wait3A_180 = arith.constant 0 : i32
    %dma_wait3A_181 = arith.constant 0 : i32
    %dma_wait3A_182 = tpu.memref_slice %arg3[%dma_wait3A_180, %dma_wait3A_181] : memref<8194x1024xf32, #tpu.memory_space<hbm>> -> memref<32x1024xf32, #tpu.memory_space<hbm>>
    %dma_wait3A_183 = arith.constant 0 : i32
    %dma_wait3A_184 = arith.constant 0 : i32
    %dma_wait3A_185 = tpu.memref_slice %arg6[%dma_wait3A_175, %dma_wait3A_183, %dma_wait3A_184] : memref<3x32x1024xf32, #tpu.memory_space<vmem>> -> memref<1x32x1024xf32, #tpu.memory_space<vmem>>
    %dma_wait3A_186 = tpu.memref_squeeze %dma_wait3A_185 : memref<1x32x1024xf32, #tpu.memory_space<vmem>> -> memref<32x1024xf32, #tpu.memory_space<vmem>>
    %dma_wait3A_187 = arith.constant 0 : i32
    %dma_wait3A_188 = arith.constant 0 : i32
    %dma_wait3A_189 = tpu.memref_slice %arg3[%dma_wait3A_187, %dma_wait3A_188] : memref<8194x1024xf32, #tpu.memory_space<hbm>> -> memref<32x1024xf32, #tpu.memory_space<hbm>>
    tpu.wait_dma2 semaphore(%arg7 : memref<!tpu.dma_semaphore, #tpu.memory_space<semaphore_mem>>) src(%dma_wait3A_189 : memref<32x1024xf32, #tpu.memory_space<hbm>>) dst(%dma_wait3A_186 : memref<32x1024xf32, #tpu.memory_space<vmem>>)
    %add3A_190 = arith.constant 960 : i32
    %add3A_191 = arith.addi %mul3A_2, %add3A_190 : i32
    %dma_start3A_192 = arith.constant 0 : i32
    %dma_start3A_193 = arith.constant 0 : i32
    %dma_start3A_194 = arith.constant 0 : i32
    %dma_start3A_195 = tpu.memref_slice %arg6[%dma_start3A_192, %dma_start3A_193, %dma_start3A_194] : memref<3x32x1024xf32, #tpu.memory_space<vmem>> -> memref<1x32x1024xf32, #tpu.memory_space<vmem>>
    %dma_start3A_196 = tpu.memref_squeeze %dma_start3A_195 : memref<1x32x1024xf32, #tpu.memory_space<vmem>> -> memref<32x1024xf32, #tpu.memory_space<vmem>>
    %dma_start3A_197 = arith.constant 0 : i32
    %dma_start3A_198 = tpu.memref_slice %arg4[%add3A_191, %dma_start3A_197] : memref<32768x1024xf32, #tpu.memory_space<hbm>> -> memref<32x1024xf32, #tpu.memory_space<hbm>>
    %dma_start3A_199 = arith.constant 0 : i32
    %dma_start3A_200 = tpu.memref_slice %arg4[%add3A_191, %dma_start3A_199] : memref<32768x1024xf32, #tpu.memory_space<hbm>> -> memref<32x1024xf32, #tpu.memory_space<hbm>>
    %dma_start3A_201 = arith.constant 0 : i32
    %dma_start3A_202 = arith.constant 0 : i32
    %dma_start3A_203 = tpu.memref_slice %arg6[%dma_start3A_192, %dma_start3A_201, %dma_start3A_202] : memref<3x32x1024xf32, #tpu.memory_space<vmem>> -> memref<1x32x1024xf32, #tpu.memory_space<vmem>>
    %dma_start3A_204 = tpu.memref_squeeze %dma_start3A_203 : memref<1x32x1024xf32, #tpu.memory_space<vmem>> -> memref<32x1024xf32, #tpu.memory_space<vmem>>
    tpu.enqueue_dma source(%dma_start3A_204 : memref<32x1024xf32, #tpu.memory_space<vmem>>) target(%dma_start3A_200 : memref<32x1024xf32, #tpu.memory_space<hbm>>) target_semaphore(%arg10 : memref<!tpu.dma_semaphore, #tpu.memory_space<semaphore_mem>>)
    %dma_wait3A_205 = arith.constant 1 : i32
    %dma_wait3A_206 = arith.constant 0 : i32
    %dma_wait3A_207 = arith.constant 0 : i32
    %dma_wait3A_208 = tpu.memref_slice %arg6[%dma_wait3A_205, %dma_wait3A_206, %dma_wait3A_207] : memref<3x32x1024xf32, #tpu.memory_space<vmem>> -> memref<1x32x1024xf32, #tpu.memory_space<vmem>>
    %dma_wait3A_209 = tpu.memref_squeeze %dma_wait3A_208 : memref<1x32x1024xf32, #tpu.memory_space<vmem>> -> memref<32x1024xf32, #tpu.memory_space<vmem>>
    %dma_wait3A_210 = arith.constant 0 : i32
    %dma_wait3A_211 = arith.constant 0 : i32
    %dma_wait3A_212 = tpu.memref_slice %arg3[%dma_wait3A_210, %dma_wait3A_211] : memref<8194x1024xf32, #tpu.memory_space<hbm>> -> memref<32x1024xf32, #tpu.memory_space<hbm>>
    %dma_wait3A_213 = arith.constant 0 : i32
    %dma_wait3A_214 = arith.constant 0 : i32
    %dma_wait3A_215 = tpu.memref_slice %arg6[%dma_wait3A_205, %dma_wait3A_213, %dma_wait3A_214] : memref<3x32x1024xf32, #tpu.memory_space<vmem>> -> memref<1x32x1024xf32, #tpu.memory_space<vmem>>
    %dma_wait3A_216 = tpu.memref_squeeze %dma_wait3A_215 : memref<1x32x1024xf32, #tpu.memory_space<vmem>> -> memref<32x1024xf32, #tpu.memory_space<vmem>>
    %dma_wait3A_217 = arith.constant 0 : i32
    %dma_wait3A_218 = arith.constant 0 : i32
    %dma_wait3A_219 = tpu.memref_slice %arg3[%dma_wait3A_217, %dma_wait3A_218] : memref<8194x1024xf32, #tpu.memory_space<hbm>> -> memref<32x1024xf32, #tpu.memory_space<hbm>>
    tpu.wait_dma2 semaphore(%arg8 : memref<!tpu.dma_semaphore, #tpu.memory_space<semaphore_mem>>) src(%dma_wait3A_219 : memref<32x1024xf32, #tpu.memory_space<hbm>>) dst(%dma_wait3A_216 : memref<32x1024xf32, #tpu.memory_space<vmem>>)
    %add3A_220 = arith.constant 992 : i32
    %add3A_221 = arith.addi %mul3A_2, %add3A_220 : i32
    %dma_start3A_222 = arith.constant 1 : i32
    %dma_start3A_223 = arith.constant 0 : i32
    %dma_start3A_224 = arith.constant 0 : i32
    %dma_start3A_225 = tpu.memref_slice %arg6[%dma_start3A_222, %dma_start3A_223, %dma_start3A_224] : memref<3x32x1024xf32, #tpu.memory_space<vmem>> -> memref<1x32x1024xf32, #tpu.memory_space<vmem>>
    %dma_start3A_226 = tpu.memref_squeeze %dma_start3A_225 : memref<1x32x1024xf32, #tpu.memory_space<vmem>> -> memref<32x1024xf32, #tpu.memory_space<vmem>>
    %dma_start3A_227 = arith.constant 0 : i32
    %dma_start3A_228 = tpu.memref_slice %arg4[%add3A_221, %dma_start3A_227] : memref<32768x1024xf32, #tpu.memory_space<hbm>> -> memref<32x1024xf32, #tpu.memory_space<hbm>>
    %dma_start3A_229 = arith.constant 0 : i32
    %dma_start3A_230 = tpu.memref_slice %arg4[%add3A_221, %dma_start3A_229] : memref<32768x1024xf32, #tpu.memory_space<hbm>> -> memref<32x1024xf32, #tpu.memory_space<hbm>>
    %dma_start3A_231 = arith.constant 0 : i32
    %dma_start3A_232 = arith.constant 0 : i32
    %dma_start3A_233 = tpu.memref_slice %arg6[%dma_start3A_222, %dma_start3A_231, %dma_start3A_232] : memref<3x32x1024xf32, #tpu.memory_space<vmem>> -> memref<1x32x1024xf32, #tpu.memory_space<vmem>>
    %dma_start3A_234 = tpu.memref_squeeze %dma_start3A_233 : memref<1x32x1024xf32, #tpu.memory_space<vmem>> -> memref<32x1024xf32, #tpu.memory_space<vmem>>
    tpu.enqueue_dma source(%dma_start3A_234 : memref<32x1024xf32, #tpu.memory_space<vmem>>) target(%dma_start3A_230 : memref<32x1024xf32, #tpu.memory_space<hbm>>) target_semaphore(%arg11 : memref<!tpu.dma_semaphore, #tpu.memory_space<semaphore_mem>>)
    %dma_wait3A_235 = arith.constant 0 : i32
    %dma_wait3A_236 = arith.constant 0 : i32
    %dma_wait3A_237 = arith.constant 0 : i32
    %dma_wait3A_238 = tpu.memref_slice %arg6[%dma_wait3A_235, %dma_wait3A_236, %dma_wait3A_237] : memref<3x32x1024xf32, #tpu.memory_space<vmem>> -> memref<1x32x1024xf32, #tpu.memory_space<vmem>>
    %dma_wait3A_239 = tpu.memref_squeeze %dma_wait3A_238 : memref<1x32x1024xf32, #tpu.memory_space<vmem>> -> memref<32x1024xf32, #tpu.memory_space<vmem>>
    %dma_wait3A_240 = arith.constant 0 : i32
    %dma_wait3A_241 = tpu.memref_slice %arg4[%mul3A_2, %dma_wait3A_240] : memref<32768x1024xf32, #tpu.memory_space<hbm>> -> memref<32x1024xf32, #tpu.memory_space<hbm>>
    %dma_wait3A_242 = arith.constant 0 : i32
    %dma_wait3A_243 = tpu.memref_slice %arg4[%mul3A_2, %dma_wait3A_242] : memref<32768x1024xf32, #tpu.memory_space<hbm>> -> memref<32x1024xf32, #tpu.memory_space<hbm>>
    %dma_wait3A_244 = arith.constant 0 : i32
    %dma_wait3A_245 = arith.constant 0 : i32
    %dma_wait3A_246 = tpu.memref_slice %arg6[%dma_wait3A_235, %dma_wait3A_244, %dma_wait3A_245] : memref<3x32x1024xf32, #tpu.memory_space<vmem>> -> memref<1x32x1024xf32, #tpu.memory_space<vmem>>
    %dma_wait3A_247 = tpu.memref_squeeze %dma_wait3A_246 : memref<1x32x1024xf32, #tpu.memory_space<vmem>> -> memref<32x1024xf32, #tpu.memory_space<vmem>>
    tpu.wait_dma2 semaphore(%arg10 : memref<!tpu.dma_semaphore, #tpu.memory_space<semaphore_mem>>) src(%dma_wait3A_247 : memref<32x1024xf32, #tpu.memory_space<vmem>>) dst(%dma_wait3A_243 : memref<32x1024xf32, #tpu.memory_space<hbm>>)
    %dma_wait3A_248 = arith.constant 1 : i32
    %dma_wait3A_249 = arith.constant 0 : i32
    %dma_wait3A_250 = arith.constant 0 : i32
    %dma_wait3A_251 = tpu.memref_slice %arg6[%dma_wait3A_248, %dma_wait3A_249, %dma_wait3A_250] : memref<3x32x1024xf32, #tpu.memory_space<vmem>> -> memref<1x32x1024xf32, #tpu.memory_space<vmem>>
    %dma_wait3A_252 = tpu.memref_squeeze %dma_wait3A_251 : memref<1x32x1024xf32, #tpu.memory_space<vmem>> -> memref<32x1024xf32, #tpu.memory_space<vmem>>
    %dma_wait3A_253 = arith.constant 0 : i32
    %dma_wait3A_254 = tpu.memref_slice %arg4[%mul3A_2, %dma_wait3A_253] : memref<32768x1024xf32, #tpu.memory_space<hbm>> -> memref<32x1024xf32, #tpu.memory_space<hbm>>
    %dma_wait3A_255 = arith.constant 0 : i32
    %dma_wait3A_256 = tpu.memref_slice %arg4[%mul3A_2, %dma_wait3A_255] : memref<32768x1024xf32, #tpu.memory_space<hbm>> -> memref<32x1024xf32, #tpu.memory_space<hbm>>
    %dma_wait3A_257 = arith.constant 0 : i32
    %dma_wait3A_258 = arith.constant 0 : i32
    %dma_wait3A_259 = tpu.memref_slice %arg6[%dma_wait3A_248, %dma_wait3A_257, %dma_wait3A_258] : memref<3x32x1024xf32, #tpu.memory_space<vmem>> -> memref<1x32x1024xf32, #tpu.memory_space<vmem>>
    %dma_wait3A_260 = tpu.memref_squeeze %dma_wait3A_259 : memref<1x32x1024xf32, #tpu.memory_space<vmem>> -> memref<32x1024xf32, #tpu.memory_space<vmem>>
    tpu.wait_dma2 semaphore(%arg11 : memref<!tpu.dma_semaphore, #tpu.memory_space<semaphore_mem>>) src(%dma_wait3A_260 : memref<32x1024xf32, #tpu.memory_space<vmem>>) dst(%dma_wait3A_256 : memref<32x1024xf32, #tpu.memory_space<hbm>>)
    %dma_wait3A_261 = arith.constant 2 : i32
    %dma_wait3A_262 = arith.constant 0 : i32
    %dma_wait3A_263 = arith.constant 0 : i32
    %dma_wait3A_264 = tpu.memref_slice %arg6[%dma_wait3A_261, %dma_wait3A_262, %dma_wait3A_263] : memref<3x32x1024xf32, #tpu.memory_space<vmem>> -> memref<1x32x1024xf32, #tpu.memory_space<vmem>>
    %dma_wait3A_265 = tpu.memref_squeeze %dma_wait3A_264 : memref<1x32x1024xf32, #tpu.memory_space<vmem>> -> memref<32x1024xf32, #tpu.memory_space<vmem>>
    %dma_wait3A_266 = arith.constant 0 : i32
    %dma_wait3A_267 = tpu.memref_slice %arg4[%mul3A_2, %dma_wait3A_266] : memref<32768x1024xf32, #tpu.memory_space<hbm>> -> memref<32x1024xf32, #tpu.memory_space<hbm>>
    %dma_wait3A_268 = arith.constant 0 : i32
    %dma_wait3A_269 = tpu.memref_slice %arg4[%mul3A_2, %dma_wait3A_268] : memref<32768x1024xf32, #tpu.memory_space<hbm>> -> memref<32x1024xf32, #tpu.memory_space<hbm>>
    %dma_wait3A_270 = arith.constant 0 : i32
    %dma_wait3A_271 = arith.constant 0 : i32
    %dma_wait3A_272 = tpu.memref_slice %arg6[%dma_wait3A_261, %dma_wait3A_270, %dma_wait3A_271] : memref<3x32x1024xf32, #tpu.memory_space<vmem>> -> memref<1x32x1024xf32, #tpu.memory_space<vmem>>
    %dma_wait3A_273 = tpu.memref_squeeze %dma_wait3A_272 : memref<1x32x1024xf32, #tpu.memory_space<vmem>> -> memref<32x1024xf32, #tpu.memory_space<vmem>>
    tpu.wait_dma2 semaphore(%arg12 : memref<!tpu.dma_semaphore, #tpu.memory_space<semaphore_mem>>) src(%dma_wait3A_273 : memref<32x1024xf32, #tpu.memory_space<vmem>>) dst(%dma_wait3A_269 : memref<32x1024xf32, #tpu.memory_space<hbm>>)
    return
  }
}

module attributes {stable_mosaic.version = 14 : i64} {
  func.func @_pos_body(%arg0: memref<4x8192xi32, #tpu.memory_space<vmem>>, %arg1: memref<4x8192xi32, #tpu.memory_space<vmem>>) attributes {dimension_semantics = [], scalar_prefetch = 0 : i64, scratch_operands = 0 : i64, tpu.core_type = #tpu.core_type<tc>} {
    %get3A = arith.constant 0 : index
    %get3A_0 = arith.constant 0 : index
    %get3A_1 = vector.load %arg0[%get3A, %get3A_0] : memref<4x8192xi32, #tpu.memory_space<vmem>>, vector<4x8192xi32>
    %ne3A = arith.constant 1 : i32
    %ne3A_2 = vector.broadcast %ne3A : i32 to vector<4x8192xi32>
    %ne3A_3 = arith.cmpi ne, %get3A_1, %ne3A_2 : vector<4x8192xi32>
    %jit3A = arith.constant 1 : i32
    %jit3A_4 = arith.constant 0 : i32
    %broadcast_in_dim3A = vector.broadcast %jit3A : i32 to vector<4x8192xi32>
    %broadcast_in_dim3A_5 = vector.broadcast %jit3A_4 : i32 to vector<4x8192xi32>
    %select_n3A = arith.select %ne3A_3, %broadcast_in_dim3A, %broadcast_in_dim3A_5 : vector<4x8192xi1>, vector<4x8192xi32>
    %broadcast_in_dim3A_6 = arith.constant 0 : i32
    %broadcast_in_dim3A_7 = vector.broadcast %broadcast_in_dim3A_6 : i32 to vector<4x1xi32>
    %slice3A = vector.extract_strided_slice %select_n3A {offsets = [0, 0], sizes = [4, 8191], strides = [1, 1]} : vector<4x8192xi32> to vector<4x8191xi32>
    %concatenate3A = tpu.concatenate %broadcast_in_dim3A_7, %slice3A in 1 : vector<4x1xi32>, vector<4x8191xi32> -> vector<4x8192xi32>
    %add3A = arith.addi %select_n3A, %concatenate3A : vector<4x8192xi32>
    %broadcast_in_dim3A_8 = arith.constant 0 : i32
    %broadcast_in_dim3A_9 = vector.broadcast %broadcast_in_dim3A_8 : i32 to vector<4x2xi32>
    %slice3A_10 = vector.extract_strided_slice %add3A {offsets = [0, 0], sizes = [4, 8190], strides = [1, 1]} : vector<4x8192xi32> to vector<4x8190xi32>
    %concatenate3A_11 = tpu.concatenate %broadcast_in_dim3A_9, %slice3A_10 in 1 : vector<4x2xi32>, vector<4x8190xi32> -> vector<4x8192xi32>
    %add3A_12 = arith.addi %add3A, %concatenate3A_11 : vector<4x8192xi32>
    %broadcast_in_dim3A_13 = arith.constant 0 : i32
    %broadcast_in_dim3A_14 = vector.broadcast %broadcast_in_dim3A_13 : i32 to vector<4x4xi32>
    %slice3A_15 = vector.extract_strided_slice %add3A_12 {offsets = [0, 0], sizes = [4, 8188], strides = [1, 1]} : vector<4x8192xi32> to vector<4x8188xi32>
    %concatenate3A_16 = tpu.concatenate %broadcast_in_dim3A_14, %slice3A_15 in 1 : vector<4x4xi32>, vector<4x8188xi32> -> vector<4x8192xi32>
    %add3A_17 = arith.addi %add3A_12, %concatenate3A_16 : vector<4x8192xi32>
    %broadcast_in_dim3A_18 = arith.constant 0 : i32
    %broadcast_in_dim3A_19 = vector.broadcast %broadcast_in_dim3A_18 : i32 to vector<4x8xi32>
    %slice3A_20 = vector.extract_strided_slice %add3A_17 {offsets = [0, 0], sizes = [4, 8184], strides = [1, 1]} : vector<4x8192xi32> to vector<4x8184xi32>
    %concatenate3A_21 = tpu.concatenate %broadcast_in_dim3A_19, %slice3A_20 in 1 : vector<4x8xi32>, vector<4x8184xi32> -> vector<4x8192xi32>
    %add3A_22 = arith.addi %add3A_17, %concatenate3A_21 : vector<4x8192xi32>
    %broadcast_in_dim3A_23 = arith.constant 0 : i32
    %broadcast_in_dim3A_24 = vector.broadcast %broadcast_in_dim3A_23 : i32 to vector<4x16xi32>
    %slice3A_25 = vector.extract_strided_slice %add3A_22 {offsets = [0, 0], sizes = [4, 8176], strides = [1, 1]} : vector<4x8192xi32> to vector<4x8176xi32>
    %concatenate3A_26 = tpu.concatenate %broadcast_in_dim3A_24, %slice3A_25 in 1 : vector<4x16xi32>, vector<4x8176xi32> -> vector<4x8192xi32>
    %add3A_27 = arith.addi %add3A_22, %concatenate3A_26 : vector<4x8192xi32>
    %broadcast_in_dim3A_28 = arith.constant 0 : i32
    %broadcast_in_dim3A_29 = vector.broadcast %broadcast_in_dim3A_28 : i32 to vector<4x32xi32>
    %slice3A_30 = vector.extract_strided_slice %add3A_27 {offsets = [0, 0], sizes = [4, 8160], strides = [1, 1]} : vector<4x8192xi32> to vector<4x8160xi32>
    %concatenate3A_31 = tpu.concatenate %broadcast_in_dim3A_29, %slice3A_30 in 1 : vector<4x32xi32>, vector<4x8160xi32> -> vector<4x8192xi32>
    %add3A_32 = arith.addi %add3A_27, %concatenate3A_31 : vector<4x8192xi32>
    %broadcast_in_dim3A_33 = arith.constant 0 : i32
    %broadcast_in_dim3A_34 = vector.broadcast %broadcast_in_dim3A_33 : i32 to vector<4x64xi32>
    %slice3A_35 = vector.extract_strided_slice %add3A_32 {offsets = [0, 0], sizes = [4, 8128], strides = [1, 1]} : vector<4x8192xi32> to vector<4x8128xi32>
    %concatenate3A_36 = tpu.concatenate %broadcast_in_dim3A_34, %slice3A_35 in 1 : vector<4x64xi32>, vector<4x8128xi32> -> vector<4x8192xi32>
    %add3A_37 = arith.addi %add3A_32, %concatenate3A_36 : vector<4x8192xi32>
    %broadcast_in_dim3A_38 = arith.constant 0 : i32
    %broadcast_in_dim3A_39 = vector.broadcast %broadcast_in_dim3A_38 : i32 to vector<4x128xi32>
    %slice3A_40 = vector.extract_strided_slice %add3A_37 {offsets = [0, 0], sizes = [4, 8064], strides = [1, 1]} : vector<4x8192xi32> to vector<4x8064xi32>
    %concatenate3A_41 = tpu.concatenate %broadcast_in_dim3A_39, %slice3A_40 in 1 : vector<4x128xi32>, vector<4x8064xi32> -> vector<4x8192xi32>
    %add3A_42 = arith.addi %add3A_37, %concatenate3A_41 : vector<4x8192xi32>
    %broadcast_in_dim3A_43 = arith.constant 0 : i32
    %broadcast_in_dim3A_44 = vector.broadcast %broadcast_in_dim3A_43 : i32 to vector<4x256xi32>
    %slice3A_45 = vector.extract_strided_slice %add3A_42 {offsets = [0, 0], sizes = [4, 7936], strides = [1, 1]} : vector<4x8192xi32> to vector<4x7936xi32>
    %concatenate3A_46 = tpu.concatenate %broadcast_in_dim3A_44, %slice3A_45 in 1 : vector<4x256xi32>, vector<4x7936xi32> -> vector<4x8192xi32>
    %add3A_47 = arith.addi %add3A_42, %concatenate3A_46 : vector<4x8192xi32>
    %broadcast_in_dim3A_48 = arith.constant 0 : i32
    %broadcast_in_dim3A_49 = vector.broadcast %broadcast_in_dim3A_48 : i32 to vector<4x512xi32>
    %slice3A_50 = vector.extract_strided_slice %add3A_47 {offsets = [0, 0], sizes = [4, 7680], strides = [1, 1]} : vector<4x8192xi32> to vector<4x7680xi32>
    %concatenate3A_51 = tpu.concatenate %broadcast_in_dim3A_49, %slice3A_50 in 1 : vector<4x512xi32>, vector<4x7680xi32> -> vector<4x8192xi32>
    %add3A_52 = arith.addi %add3A_47, %concatenate3A_51 : vector<4x8192xi32>
    %broadcast_in_dim3A_53 = arith.constant 0 : i32
    %broadcast_in_dim3A_54 = vector.broadcast %broadcast_in_dim3A_53 : i32 to vector<4x1024xi32>
    %slice3A_55 = vector.extract_strided_slice %add3A_52 {offsets = [0, 0], sizes = [4, 7168], strides = [1, 1]} : vector<4x8192xi32> to vector<4x7168xi32>
    %concatenate3A_56 = tpu.concatenate %broadcast_in_dim3A_54, %slice3A_55 in 1 : vector<4x1024xi32>, vector<4x7168xi32> -> vector<4x8192xi32>
    %add3A_57 = arith.addi %add3A_52, %concatenate3A_56 : vector<4x8192xi32>
    %broadcast_in_dim3A_58 = arith.constant 0 : i32
    %broadcast_in_dim3A_59 = vector.broadcast %broadcast_in_dim3A_58 : i32 to vector<4x2048xi32>
    %slice3A_60 = vector.extract_strided_slice %add3A_57 {offsets = [0, 0], sizes = [4, 6144], strides = [1, 1]} : vector<4x8192xi32> to vector<4x6144xi32>
    %concatenate3A_61 = tpu.concatenate %broadcast_in_dim3A_59, %slice3A_60 in 1 : vector<4x2048xi32>, vector<4x6144xi32> -> vector<4x8192xi32>
    %add3A_62 = arith.addi %add3A_57, %concatenate3A_61 : vector<4x8192xi32>
    %broadcast_in_dim3A_63 = arith.constant 0 : i32
    %broadcast_in_dim3A_64 = vector.broadcast %broadcast_in_dim3A_63 : i32 to vector<4x4096xi32>
    %slice3A_65 = vector.extract_strided_slice %add3A_62 {offsets = [0, 0], sizes = [4, 4096], strides = [1, 1]} : vector<4x8192xi32> to vector<4x4096xi32>
    %concatenate3A_66 = tpu.concatenate %broadcast_in_dim3A_64, %slice3A_65 in 1 : vector<4x4096xi32>, vector<4x4096xi32> -> vector<4x8192xi32>
    %add3A_67 = arith.addi %add3A_62, %concatenate3A_66 : vector<4x8192xi32>
    %mul3A = arith.muli %add3A_67, %select_n3A : vector<4x8192xi32>
    %add3A_68 = arith.constant 1 : i32
    %add3A_69 = vector.broadcast %add3A_68 : i32 to vector<4x8192xi32>
    %add3A_70 = arith.addi %mul3A, %add3A_69 : vector<4x8192xi32>
    %swap3A = arith.constant 0 : index
    %swap3A_71 = arith.constant 0 : index
    %swap3A_72 = vector.load %arg1[%swap3A, %swap3A_71] : memref<4x8192xi32, #tpu.memory_space<vmem>>, vector<4x8192xi32>
    tpu.vector_store %arg1[%swap3A, %swap3A_71], %add3A_70 {strides = array<i32>} : memref<4x8192xi32, #tpu.memory_space<vmem>>, vector<4x8192xi32>,
    return
  }
}

</mosaic_0001>

<sc_bundles>
// kernel: kernel.4.cloned.1.call-start
scs
__scs_entry_jumppad:
0x0: {  	(pc) =	sbr.rel $0x88, $3  }
0x1: {  	(tag) =	ssettag $0x0;
	lr =	simm.s32 $0x1  }
0x2: {  	[smem:$0x3F9F] =	sst lr;
	_ =	strace $0xD0000000  }
0x3: {  	_ = 	snop  }
0x4: {  	_ = 	snop  }
0x5: {  	_ = 	snop  }
0x6: {  	_ = 	snop  }
0x7: {  	_ = 	snop  }
__scs_overlays_trampoline_lowered:
0x8: {  	[smem:$0x3FAE] =	sst s0  }
0x9: {  	[smem:$0x3FAF] =	sst s1  }
0xa: {  	[smem:$0x3FB0] =	sst s2  }
0xb: {  	[smem:$0x3FB1] =	sst s3  }
0xc: {  	[smem:$0x3FB2] =	sst s4  }
0xd: {  	[smem:$0x3FB3] =	sst s5  }
0xe: {  	[smem:$0x3FB4] =	sst s6  }
0xf: {  	[smem:$0x3FB5] =	sst s7  }
0x10: {  	[smem:$0x3FB6] =	sst s8  }
0x11: {  	[smem:$0x3FB7] =	sst s9;
	s0 =	simm.s32 @!p0 $0x0  }
0x12: {  	s1 =	sld [smem:$0x3F9D];
	s0 =	simm.s32 @p0 $0x1  }
0x13: {  	[smem:$0x3FB8] =	sst s0;
	s0 =	simm.s32 @!p1 $0x0  }
0x14: {  	s2 =	sld [smem:$0x3F9C];
	s0 =	simm.s32 @p1 $0x1  }
0x15: {  	[smem:$0x3FB9] =	sst s0;
	s0 =	simm.s32 @!p2 $0x0  }
0x16: {  	s3 =	sld [smem:$0x3FDB];
	s0 =	simm.s32 @p2 $0x1  }
0x17: {  	s4 =	simm.s32 $0x1BF5;
	[smem:$0x3FBB] =	sst s0  }
0x18: {  	s0 =	sld [smem:$0x3F9E];
	_ =	swait.ge [sflag:s4], $0x0  }
0x19: {  	s7 =	sld [smem:$0x3F9F]  }
0x1a: {  	s8 =	sadd.s32 $0xFFFFE003, lr  }
0x1b: {  	s9 =	sadd.s32 $0xFFFFFEF7, lr;
	s5 =	simm.s32 $0xFFFFFFFF;
	p2 =	slt.u32 s8, $0xFFFFF086  }
0x1c: {  	p1 =	slt.u32 s9, $0xF7A;
	s5 =	simm.s32 @!p2 $0x0  }
0x1d: {  	s5 =	simm.s32 @p1 $0x1;
	p0 =	seq.s32 s7, s2  }
0x1e: {  	s7 =	smul.u32 @!p0 $0xF7A, s2;
	p2 =	seq.s32 @!p0 s5, $0x0  }
0x1f: {  	s9 =	smul.u32 $0xF7A, s1;
	s8 =	simm.s32 @!p0 $0x1BF5;
	p2 =	por !p2, p0  }
0x20: {  	[sflag:s8] =	ssyncset.s32 @!p0 $0xFFFFF086;
	s6 =	sadd.s32 @!p0 s3, s7;
	s7 =	simm.s32 @!p0 $0x108  }
0x21: {  	s3 =	sadd.s32 s3, s9;
	s6 =	sadd.s32 @!p0 $0x88, s6;
	s7 =	simm.s32 @p2 $0x1082  }
0x22: {  	[simem:s7], [sflag:s8] =	dma.local @!p0 [hbm:s6], $0xF7A  }
0x23: {  	s9 =	sor.u32 $0xD0000000, s2;
	s6 =	simm.s32 $0x108;
	_ =	swait.ge @!p0 [sflag:s8], $0x0  }
0x24: {  	s3 =	sadd.s32 $0x88, s3;
	s6 =	simm.s32 @!p1 $0x1082;
	[sflag:s4] =	ssyncset.s32 $0xFFFFF086  }
0x25: {  	[simem:s6], [sflag:s4] =	dma.local [hbm:s3], $0xF7A  }
0x26: {  	[smem:$0x3F9F] =	sst s1;
	(tag) =	ssettag s2;
	_ =	strace s9  }
0x27: {  	s1 =	sld [smem:$0x3FAF]  }
0x28: {  	s2 =	sld [smem:$0x3FB0]  }
0x29: {  	s4 =	sld [smem:$0x3FB2]  }
0x2a: {  	p0 =	seq.s32 s5, $0x0;
	s5 =	sld [smem:$0x3FB3]  }
0x2b: {  	s6 =	sld [smem:$0x3FB4]  }
0x2c: {  	s7 =	sld [smem:$0x3FB5]  }
0x2d: {  	s3 =	simm.s32 $0x108;
	s8 =	sld [smem:$0x3FB6]  }
0x2e: {  	s3 =	simm.s32 @!p0 $0x1082;
	s9 =	sld [smem:$0x3FB7]  }
0x2f: {  	lr =	sadd.s32 s0, s3;
	s0 =	sld [smem:$0x3FAE]  }
0x30: {  	s3 =	sld [smem:$0x3FB1]  }
0x31: {  	[smem:$0x3FBA] =	sst s10  }
0x32: {  	s10 =	sld [smem:$0x3FB8];
	_ =	sdelay $0x3  }
0x33: {  	p0 =	seq.s32 s10, $0x1;
	s10 =	sld [smem:$0x3FBA];
	_ =	sdelay $0x3  }
0x34: {  	[smem:$0x3FBA] =	sst s10  }
0x35: {  	s10 =	sld [smem:$0x3FB9];
	_ =	sdelay $0x3  }
0x36: {  	p1 =	seq.s32 s10, $0x1;
	s10 =	sld [smem:$0x3FBA];
	_ =	sdelay $0x3  }
0x37: {  	[smem:$0x3FBA] =	sst s10  }
0x38: {  	s10 =	sld [smem:$0x3FBB]  }
0x39: {  	_ = 	snop;
	(pc) =	sbr.ind lr, $3  }
0x3a: {  	_ = 	snop  }
0x3b: {  	_ = 	snop  }
0x3c: {  	p2 =	seq.s32 s10, $0x1;
	s10 =	sld [smem:$0x3FBA]  }
0x3d: {  	_ =	shalt  }
0x3e: {  	_ =	shalt  }
0x3f: {  	_ =	shalt  }
0x40: {  	_ =	shalt  }
0x41: {  	_ =	shalt  }
0x42: {  	_ =	shalt  }
0x43: {  	_ =	shalt  }
0x44: {  	_ =	shalt  }
0x45: {  	_ =	shalt  }
0x46: {  	_ =	shalt  }
0x47: {  	_ =	shalt  }
0x48: {  	_ =	shalt  }
0x49: {  	_ =	shalt  }
0x4a: {  	_ =	shalt  }
0x4b: {  	_ =	shalt  }
0x4c: {  	_ =	shalt  }
0x4d: {  	_ =	shalt  }
0x4e: {  	_ =	shalt  }
0x4f: {  	_ =	shalt  }
0x50: {  	_ =	shalt  }
0x51: {  	_ =	shalt  }
0x52: {  	_ =	shalt  }
0x53: {  	_ =	shalt  }
0x54: {  	_ =	shalt  }
0x55: {  	_ =	shalt  }
0x56: {  	_ =	shalt  }
0x57: {  	_ =	shalt  }
0x58: {  	_ =	shalt  }
0x59: {  	_ =	shalt  }
0x5a: {  	_ =	shalt  }
0x5b: {  	_ =	shalt  }
0x5c: {  	_ =	shalt  }
0x5d: {  	_ =	shalt  }
0x5e: {  	_ =	shalt  }
0x5f: {  	_ =	shalt  }
0x60: {  	_ =	shalt  }
0x61: {  	_ =	shalt  }
0x62: {  	_ =	shalt  }
0x63: {  	_ =	shalt  }
0x64: {  	_ =	shalt  }
0x65: {  	_ =	shalt  }
0x66: {  	_ =	shalt  }
0x67: {  	_ =	shalt  }
0x68: {  	_ =	shalt  }
0x69: {  	_ =	shalt  }
0x6a: {  	_ =	shalt  }
0x6b: {  	_ =	shalt  }
0x6c: {  	_ =	shalt  }
0x6d: {  	_ =	shalt  }
0x6e: {  	_ =	shalt  }
0x6f: {  	_ =	shalt  }
0x70: {  	_ =	shalt  }
0x71: {  	_ =	shalt  }
0x72: {  	_ =	shalt  }
0x73: {  	_ =	shalt  }
0x74: {  	_ =	shalt  }
0x75: {  	_ =	shalt  }
0x76: {  	_ =	shalt  }
0x77: {  	_ =	shalt  }
0x78: {  	_ =	shalt  }
0x79: {  	_ =	shalt  }
0x7a: {  	_ =	shalt  }
0x7b: {  	_ =	shalt  }
0x7c: {  	_ =	shalt  }
0x7d: {  	_ =	shalt  }
0x7e: {  	_ =	shalt  }
0x7f: {  	_ =	shalt  }
0x80: {  	_ =	shalt  }
0x81: {  	_ =	shalt  }
0x82: {  	_ =	shalt  }
0x83: {  	_ =	shalt  }
0x84: {  	_ =	shalt  }
0x85: {  	_ =	shalt  }
0x86: {  	_ =	shalt  }
0x87: {  	_ =	shalt  }
.Lfunc_end0:
.L_simem_size_0:
called_computation_lowered:
.L_overlay_start_0:
0x88: {  	s2 =	sld [smem:$0x3FD9]  }
0x89: {  	s3 =	sld [smem:$0x3FFE];
	_ =	sdelay $0x1  }
0x8a: {  	s1 =	srdreg.scid  }
0x8b: {  	s0 =	sand.u32 $0x1, s1  }
0x8c: {  	s17 =	sshll.u32 s0, $0xA;
	s2 =	sadd.s32 s3, s2  }
0x8d: {  	s2 =	sadd.s32 s2, s17  }
0x8e: {  	[smem:$0x3FC6] =	sst s2  }
0x8f: {  	_ = 	snop  }
0x90: {  	s2 =	sld [smem:$0x3FC8]  }
0x91: {  	s18 =	sld [smem:$0x3FD0];
	(tm) =	ssettm $0x1  }
0x92: {  	s4 =	sld [smem:$0x3FFB];
	_ =	sdelay $0x3  }
0x93: {  	_ =	strace s4  }
0x94: {  	s4 =	sld [smem:$0x3FFC];
	_ =	sdelay $0x3  }
0x95: {  	_ =	strace s4  }
0x96: {  	s4 =	sld [smem:$0x3FFD];
	_ =	sdelay $0x3  }
0x97: {  	_ =	strace s4  }
0x98: {  	_ =	strace $0x8FFFFFFF  }
0x99: {  	s19 =	sld [smem:$0x3FDB];
	_ =	sdelay $0x1  }
0x9a: {  	s5 =	simm.s32 $_scs_section_size  }
0x9b: {  	s6 =	simm.s32 $_size__tile_overlayer_lowered;
	s7 =	simm.s32 $_tile_overlayer_lowered  }
0x9c: {  	s22 =	simm.s32 $0x1BFF;
	s21 =	sshll.u32 s7, $0x1;
	s4 =	sadd.s32 s5, s19  }
0x9d: {  	s8 =	simm.s32 $0x0;
	s20 =	sshll.u32 s6, $0x1;
	s6 =	sadd.s32 s21, s4  }
0x9e: {  	[timem:s8], [sflag:s22] =	dma.local [hbm:s6], s20  }
0x9f: {  	_ =	swait.ge [sflag:s22], s20  }
0xa0: {  	s5 =	ssub.s32 $0x0, s20;
	[sflag:s22] =	ssyncset.done $0x0  }
0xa1: {  	[sflag:s22] =	ssyncadd.s32 s5;
	_ =	sdelay $0x1  }
0xa2: {  	s23 =	simm.s32 $0x1B8B  }
0xa3: {  	_ =	swait.ge [sflag:s23], $0x1  }
0xa4: {  	[sflag:s23] =	ssyncset.done $0x0  }
0xa5: {  	s25 =	simm.s32 $0x1B8E;
	s24 =	sld [smem:$0x3FFE];
	[sflag:s23] =	ssyncadd.s32 $0xFFFFFFFF  }
0xa6: {  	s26 =	simm.s32 $execute0_lowered;
	[smem:$0x3FD2] =	sst s25  }
0xa7: {  	s6 =	sshll.u32 s26, $0x1;
	_ =	strace $0x80000046;
	[dreg:$0x1] =	wrdreg $0xFFFFFFFF  }
0xa8: {  	s28 =	simm.s32 $_size_execute0_lowered;
	s4 =	sadd.s32 s4, s6;
	[dreg:$0x0] =	wrdreg $0x0  }
0xa9: {  	s6 =	sshll.u32 s28, $0x1;
	[dreg:$0x2] =	wrdreg s4  }
0xaa: {  	[dreg:$0x3] =	wrdreg s6  }
0xab: {  	[dreg:$0x4] =	wrdreg $0xC0  }
0xac: {  	_ =	task [dreg:s8], $0x5FFFF  }
0xad: {  	[dreg:$0x1] =	wrdreg $0xFFFFFFFF  }
0xae: {  	[dreg:$0x0] =	wrdreg $0x60  }
0xaf: {  	[dreg:$0x2] =	wrdreg s24  }
0xb0: {  	[dreg:$0x3] =	wrdreg s2  }
0xb1: {  	[dreg:$0x4] =	wrdreg s18  }
0xb2: {  	[dreg:$0x5] =	wrdreg $0x9  }
0xb3: {  	_ =	task.clear_ibuf [dreg:s8], $0x6FFFF;
	_ =	strace $0x90000046  }
0xb4: {  	s29 =	simm.s32 $0x9;
	_ =	strace $0x80000048  }
0xb5: {  	_ =	swait.ge [sflag:s29], $0x1  }
0xb6: {  	[sflag:s29] =	ssyncadd.s32 $0xFFFFFFFF  }
0xb7: {  	_ =	strace $0x90000048  }
0xb8: {  	_ =	sfence  }
0xb9: {  	s30 =	sld [smem:$0x0];
	_ =	sdelay $0x2  }
0xba: {  	s31 =	sshll.u32 s1, $0xD;
	s1 =	sshrl.u32 s1, $0x2  }
0xbb: {  	s3 =	sand.u32 $0x4000, s31;
	s1 =	sadd.s32 s1, s30  }
0xbc: {  	s0 =	sor.u32 s3, s0;
	s1 =	sshll.u32 s1, $0x11  }
0xbd: {  	s0 =	sor.u32 s1, s0  }
0xbe: {  	s0 =	sadd.s32 $0x8F2B, s0  }
0xbf: {  	[sflag:s0] =	ssyncadd.remote.s32 $0x1  }
0xc0: {  	_ =	sfence.sel $0xFFFF  }
0xc1: {  	[dreg:$0x0] =	wrdreg $0xFFFFFFFF;
	(pc) =	sbr.abs _section_cstart, $3  }
0xc2: {  	[dreg:$0x1] =	wrdreg $0xFFFFFFFF  }
0xc3: {  	_ =	task.clear_ibuf [dreg:s8], $0x2FFFF;
	_ =	strace $0x9FFFFFFF  }
0xc4: {  	(tm) =	ssettm $0x7FFFFFFF  }
0xc5: {  	_ =	shalt  }
tec
execute0_lowered:
.L_overlay_start_1:
0x0: {  	(tag) =	ssettag $0x1  }
0x1: {  	s0 =	rddreg [dreg:$0x0]  }
0x2: {  	s2 =	rddreg [dreg:$0x1]  }
0x3: {  	s1 =	rddreg [dreg:$0x2]  }
0x4: {  	s3 =	srdreg.scid;
	s9 =	stileid.u32;
	s15 =	simm.s32 $0x400  }
0x5: {  	s16 =	simm.s32 $0x10C00;
	s30 =	simm.s32 $0x11400;
	s17 =	simm.s32 $0x11C00  }
0x6: {  	s18 =	simm.s32 $0x12400;
	s29 =	simm.s32 $0x12C00;
	s11 =	simm.s32 $0x1  }
0x7: {  	s12 =	simm.s32 $0x2;
	s13 =	simm.s32 $0x3;
	s28 =	simm.s32 $0x6  }
0x8: {  	s31 =	simm.s32 $0x0;
	s4 =	sand.u32 $0x1, s3;
	s3 =	simm.s32 $0x0  }
0x9: {  	s5 =	sshll.u32 s9, $0xB;
	s9 =	sshll.u32 s9, $0x12;
	s6 =	sshll.u32 s4, $0xA  }
0xa: {  	[smem:$0x7FF] =	sst s3;
	s19 =	ssub.s32 $0x2, s4;
	s4 =	sshll.u32 s4, $0x11  }
0xb: {  	s5 =	sor.u32 s6, s5;
	_ =	strace $0x80000047;
	s8 =	sshrl.u32 s19, $0x1  }
0xc: {  	s6 =	sadd.s32 $0x200, s2;
	s7 =	sshrl.u32 s5, $0x3;
	s8 =	ssub.s32 s19, s8  }
0xd: {  	s20 =	sshll.u32 s5, $0x7;
	s5 =	sadd.s32 $0x100, s2;
	s19 =	simm.s32 $0x13400  }
0xe: {  	s0 =	sadd.s32 s7, s0;
	s21 =	sadd.s32 s20, s1;
	s7 =	sadd.s32 $0x300, s2  }
0xf: {  	s1 =	sadd.s32 s9, s1;
	s25 =	smax.u32 s8, $0x1;
	s20 =	simm.s32 $0x14400  }
0x10: {  	s8 =	simm.s32 $0x15C00;
	s0 =	sadd.s32 $0x600, s0;
	[dreg:$0xb] =	wrdreg s25  }
0x11: {  	s9 =	simm.s32 $0x16400;
	s10 =	sadd.s32 $0x1B000, s21;
	[dreg:$0x5] =	wrdreg s0  }
0x12: {  	s22 =	sadd.s32 $0x1C000, s21;
	s23 =	sadd.s32 $0x1D000, s21;
	[dreg:$0x6] =	wrdreg s10  }
0x13: {  	s24 =	sadd.s32 $0x1E000, s21;
	s26 =	sadd.s32 s4, s1;
	[dreg:$0x7] =	wrdreg s22  }
0x14: {  	s1 =	simm.s32 $0x13C00;
	s4 =	simm.s32 $0x14C00;
	[dreg:$0x8] =	wrdreg s23  }
0x15: {  	s25 =	simm.s32 $0x4;
	[dreg:$0x9] =	wrdreg s24;
	s0 =	sadd.s32 $0x1F000, s21  }
0x16: {  	v2 =	vlaneseq.u32;
	[dreg:$0x4] =	wrdreg s26;
	s22 =	simm.s32 $0x10400;
	s21 =	simm.s32 $0x15400  }
0x17: {  	vm0 =	vmmov $0xffff;
	v1 =	vshrl.u32 v2, $0x3;
	s23 =	simm.s32 $0x16C00;
	s10 =	simm.s32 $0x17400;
	s24 =	simm.s32 $0x17C00  }
0x18: {  	v0 =	vand.u32 $0x7, v2;
	v2 =	vor.u32 $0x8, v2;
	v1 =	vmul.u32 $0x8, v1;
	s26 =	simm.s32 $0x5;
	[dreg:$0xa] =	wrdreg s0;
	s0 =	simm.s32 $0x8400  }
.LBB2_1:
0x19: {  	s14 =	rddreg [dreg:$0x5]  }
0x1a: {  	[tilespmem:s3], [sflag:$0x7] =	stream.linear.gather [hbm4b:s14+s3], $0x400, $0x38;
	[tilespmem:$0x18400] =	vst v63  }
0x1b: {  	[dreg:$0xc] =	wrdreg s31;
	s14 =	simm.s32 $0x7  }
0x1c: {  	_ =	swait.ge [sflag:s14], $0x400  }
0x1d: {  	[sflag:s14] =	ssyncset.done $0x0  }
0x1e: {  	[sflag:s14] =	ssyncadd.s32 $0xFFFFFC00  }
0x1f: {  	v3 =	vld [tilespmem:$0x0];
	_ =	sdelay $0x4  }
0x20: {  	v4 =	vshll.u32 v3, $0x3  }
0x21: {  	v3 =	vand.u32 $0x7, v3;
	v4 =	vand.u32 $0xFFFFFFC0, v4  }
0x22: {  	v3 =	vor.u32 v3, v4  }
0x23: {  	v4 =	vperm.xlane v3, v0;
	_ =	sdelay $0x1  }
0x24: {  	v4 =	vadd.s32 v1, v4;
	_ =	sdelay $0x4  }
0x25: {  	[tilespmem:s15], [sflag:$0x1] =	stream.indirect_vreg.gather [hbm4b:s2+s3], $0x80, v4, vm0, $0xb8;
	[tilespmem:$0x18400] =	vst v63  }
0x26: {  	s14 =	simm.s32 $0xC00;
	v3 =	vperm.xlane v3, v2  }
0x27: {  	[tilespmem:s14], [sflag:$0x1] =	stream.indirect_vreg.gather [hbm4b:s5+s3], $0x80, v4, vm0, $0xb8;
	[tilespmem:$0x18400] =	vst v63  }
0x28: {  	v3 =	vadd.s32 v1, v3;
	s14 =	simm.s32 $0x1400  }
0x29: {  	[tilespmem:s14], [sflag:$0x1] =	stream.indirect_vreg.gather [hbm4b:s6+s3], $0x80, v4, vm0, $0xb8;
	[tilespmem:$0x18400] =	vst v63  }
0x2a: {  	s14 =	simm.s32 $0x1C00  }
0x2b: {  	[tilespmem:s14], [sflag:$0x1] =	stream.indirect_vreg.gather [hbm4b:s7+s3], $0x80, v4, vm0, $0xb8;
	[tilespmem:$0x18400] =	vst v63  }
0x2c: {  	s14 =	simm.s32 $0x2400  }
0x2d: {  	[tilespmem:s14], [sflag:$0x1] =	stream.indirect_vreg.gather [hbm4b:s2+s3], $0x80, v3, vm0, $0xb8;
	[tilespmem:$0x18400] =	vst v63  }
0x2e: {  	s14 =	simm.s32 $0x2C00  }
0x2f: {  	[tilespmem:s14], [sflag:$0x1] =	stream.indirect_vreg.gather [hbm4b:s5+s3], $0x80, v3, vm0, $0xb8;
	[tilespmem:$0x18400] =	vst v63  }
0x30: {  	s14 =	simm.s32 $0x3400  }
0x31: {  	[tilespmem:s14], [sflag:$0x1] =	stream.indirect_vreg.gather [hbm4b:s6+s3], $0x80, v3, vm0, $0xb8;
	[tilespmem:$0x18400] =	vst v63  }
0x32: {  	s14 =	simm.s32 $0x3C00  }
0x33: {  	[tilespmem:s14], [sflag:$0x1] =	stream.indirect_vreg.gather [hbm4b:s7+s3], $0x80, v3, vm0, $0xb8;
	[tilespmem:$0x18400] =	vst v63  }
0x34: {  	v3 =	vld [tilespmem:$0x10];
	_ =	sdelay $0x4  }
0x35: {  	v59 =	vshll.u32 v3, $0x3  }
0x36: {  	v3 =	vand.u32 $0x7, v3;
	v4 =	vand.u32 $0xFFFFFFC0, v59  }
0x37: {  	v3 =	vor.u32 v3, v4  }
0x38: {  	v4 =	vperm.xlane v3, v0;
	_ =	sdelay $0x1  }
0x39: {  	v4 =	vadd.s32 v1, v4;
	_ =	sdelay $0x3  }
0x3a: {  	s14 =	simm.s32 $0x4400  }
0x3b: {  	[tilespmem:s14], [sflag:$0x1] =	stream.indirect_vreg.gather [hbm4b:s2+s3], $0x80, v4, vm0, $0xb8;
	[tilespmem:$0x18400] =	vst v63  }
0x3c: {  	v3 =	vperm.xlane v3, v2;
	s14 =	simm.s32 $0x4C00  }
0x3d: {  	[tilespmem:s14], [sflag:$0x1] =	stream.indirect_vreg.gather [hbm4b:s5+s3], $0x80, v4, vm0, $0xb8;
	[tilespmem:$0x18400] =	vst v63  }
0x3e: {  	v3 =	vadd.s32 v1, v3;
	s14 =	simm.s32 $0x5400  }
0x3f: {  	[tilespmem:s14], [sflag:$0x1] =	stream.indirect_vreg.gather [hbm4b:s6+s3], $0x80, v4, vm0, $0xb8;
	[tilespmem:$0x18400] =	vst v63  }
0x40: {  	s14 =	simm.s32 $0x5C00  }
0x41: {  	[tilespmem:s14], [sflag:$0x1] =	stream.indirect_vreg.gather [hbm4b:s7+s3], $0x80, v4, vm0, $0xb8;
	[tilespmem:$0x18400] =	vst v63  }
0x42: {  	s14 =	simm.s32 $0x6400  }
0x43: {  	[tilespmem:s14], [sflag:$0x1] =	stream.indirect_vreg.gather [hbm4b:s2+s3], $0x80, v3, vm0, $0xb8;
	[tilespmem:$0x18400] =	vst v63  }
0x44: {  	s14 =	simm.s32 $0x6C00  }
0x45: {  	[tilespmem:s14], [sflag:$0x1] =	stream.indirect_vreg.gather [hbm4b:s5+s3], $0x80, v3, vm0, $0xb8;
	[tilespmem:$0x18400] =	vst v63  }
0x46: {  	s14 =	simm.s32 $0x7400  }
0x47: {  	[tilespmem:s14], [sflag:$0x1] =	stream.indirect_vreg.gather [hbm4b:s6+s3], $0x80, v3, vm0, $0xb8;
	[tilespmem:$0x18400] =	vst v63  }
0x48: {  	s14 =	simm.s32 $0x7C00  }
0x49: {  	[tilespmem:s14], [sflag:$0x1] =	stream.indirect_vreg.gather [hbm4b:s7+s3], $0x80, v3, vm0, $0xb8;
	[tilespmem:$0x18400] =	vst v63  }
0x4a: {  	v3 =	vld [tilespmem:$0x20];
	_ =	sdelay $0x4  }
0x4b: {  	v60 =	vshll.u32 v3, $0x3  }
0x4c: {  	v3 =	vand.u32 $0x7, v3;
	v4 =	vand.u32 $0xFFFFFFC0, v60  }
0x4d: {  	v3 =	vor.u32 v3, v4  }
0x4e: {  	v4 =	vperm.xlane v3, v0;
	_ =	sdelay $0x1  }
0x4f: {  	v4 =	vadd.s32 v1, v4;
	_ =	sdelay $0x4  }
0x50: {  	[tilespmem:s0], [sflag:$0x2] =	stream.indirect_vreg.gather [hbm4b:s2+s3], $0x80, v4, vm0, $0xb8;
	[tilespmem:$0x18400] =	vst v63  }
0x51: {  	s14 =	simm.s32 $0x8C00;
	v3 =	vperm.xlane v3, v2  }
0x52: {  	[tilespmem:s14], [sflag:$0x2] =	stream.indirect_vreg.gather [hbm4b:s5+s3], $0x80, v4, vm0, $0xb8;
	[tilespmem:$0x18400] =	vst v63  }
0x53: {  	v3 =	vadd.s32 v1, v3;
	s14 =	simm.s32 $0x9400  }
0x54: {  	[tilespmem:s14], [sflag:$0x2] =	stream.indirect_vreg.gather [hbm4b:s6+s3], $0x80, v4, vm0, $0xb8;
	[tilespmem:$0x18400] =	vst v63  }
0x55: {  	s14 =	simm.s32 $0x9C00  }
0x56: {  	[tilespmem:s14], [sflag:$0x2] =	stream.indirect_vreg.gather [hbm4b:s7+s3], $0x80, v4, vm0, $0xb8;
	[tilespmem:$0x18400] =	vst v63  }
0x57: {  	s14 =	simm.s32 $0xA400  }
0x58: {  	[tilespmem:s14], [sflag:$0x2] =	stream.indirect_vreg.gather [hbm4b:s2+s3], $0x80, v3, vm0, $0xb8;
	[tilespmem:$0x18400] =	vst v63  }
0x59: {  	s14 =	simm.s32 $0xAC00  }
0x5a: {  	[tilespmem:s14], [sflag:$0x2] =	stream.indirect_vreg.gather [hbm4b:s5+s3], $0x80, v3, vm0, $0xb8;
	[tilespmem:$0x18400] =	vst v63  }
0x5b: {  	s14 =	simm.s32 $0xB400  }
0x5c: {  	[tilespmem:s14], [sflag:$0x2] =	stream.indirect_vreg.gather [hbm4b:s6+s3], $0x80, v3, vm0, $0xb8;
	[tilespmem:$0x18400] =	vst v63  }
0x5d: {  	s14 =	simm.s32 $0xBC00  }
0x5e: {  	[tilespmem:s14], [sflag:$0x2] =	stream.indirect_vreg.gather [hbm4b:s7+s3], $0x80, v3, vm0, $0xb8;
	[tilespmem:$0x18400] =	vst v63  }
0x5f: {  	v3 =	vld [tilespmem:$0x30];
	_ =	sdelay $0x4  }
0x60: {  	v61 =	vshll.u32 v3, $0x3  }
0x61: {  	v3 =	vand.u32 $0x7, v3;
	v4 =	vand.u32 $0xFFFFFFC0, v61  }
0x62: {  	v3 =	vor.u32 v3, v4  }
0x63: {  	v4 =	vperm.xlane v3, v0;
	_ =	sdelay $0x1  }
0x64: {  	v4 =	vadd.s32 v1, v4;
	_ =	sdelay $0x3  }
0x65: {  	s14 =	simm.s32 $0xC400  }
0x66: {  	[tilespmem:s14], [sflag:$0x2] =	stream.indirect_vreg.gather [hbm4b:s2+s3], $0x80, v4, vm0, $0xb8;
	[tilespmem:$0x18400] =	vst v63  }
0x67: {  	v3 =	vperm.xlane v3, v2;
	s14 =	simm.s32 $0xCC00  }
0x68: {  	[tilespmem:s14], [sflag:$0x2] =	stream.indirect_vreg.gather [hbm4b:s5+s3], $0x80, v4, vm0, $0xb8;
	[tilespmem:$0x18400] =	vst v63  }
0x69: {  	v3 =	vadd.s32 v1, v3;
	s14 =	simm.s32 $0xD400  }
0x6a: {  	[tilespmem:s14], [sflag:$0x2] =	stream.indirect_vreg.gather [hbm4b:s6+s3], $0x80, v4, vm0, $0xb8;
	[tilespmem:$0x18400] =	vst v63  }
0x6b: {  	s14 =	simm.s32 $0xDC00  }
0x6c: {  	[tilespmem:s14], [sflag:$0x2] =	stream.indirect_vreg.gather [hbm4b:s7+s3], $0x80, v4, vm0, $0xb8;
	[tilespmem:$0x18400] =	vst v63  }
0x6d: {  	s14 =	simm.s32 $0xE400  }
0x6e: {  	[tilespmem:s14], [sflag:$0x2] =	stream.indirect_vreg.gather [hbm4b:s2+s3], $0x80, v3, vm0, $0xb8;
	[tilespmem:$0x18400] =	vst v63  }
0x6f: {  	s14 =	simm.s32 $0xEC00  }
0x70: {  	[tilespmem:s14], [sflag:$0x2] =	stream.indirect_vreg.gather [hbm4b:s5+s3], $0x80, v3, vm0, $0xb8;
	[tilespmem:$0x18400] =	vst v63  }
0x71: {  	s14 =	simm.s32 $0xF400  }
0x72: {  	[tilespmem:s14], [sflag:$0x2] =	stream.indirect_vreg.gather [hbm4b:s6+s3], $0x80, v3, vm0, $0xb8;
	[tilespmem:$0x18400] =	vst v63  }
0x73: {  	s14 =	simm.s32 $0xFC00  }
0x74: {  	[tilespmem:s14], [sflag:$0x2] =	stream.indirect_vreg.gather [hbm4b:s7+s3], $0x80, v3, vm0, $0xb8;
	[tilespmem:$0x18400] =	vst v63  }
0x75: {  	v3 =	vld [tilespmem:$0x40];
	_ =	sdelay $0x4  }
0x76: {  	v62 =	vshll.u32 v3, $0x3  }
0x77: {  	v3 =	vand.u32 $0x7, v3;
	v4 =	vand.u32 $0xFFFFFFC0, v62  }
0x78: {  	v3 =	vor.u32 v3, v4  }
0x79: {  	v4 =	vperm.xlane v3, v0;
	_ =	sdelay $0x1  }
0x7a: {  	v4 =	vadd.s32 v1, v4;
	_ =	sdelay $0x4  }
0x7b: {  	[tilespmem:s22], [sflag:$0x3] =	stream.indirect_vreg.gather [hbm4b:s2+s3], $0x80, v4, vm0, $0xb8;
	[tilespmem:$0x18400] =	vst v63  }
0x7c: {  	v3 =	vperm.xlane v3, v2  }
0x7d: {  	[tilespmem:s16], [sflag:$0x3] =	stream.indirect_vreg.gather [hbm4b:s5+s3], $0x80, v4, vm0, $0xb8;
	[tilespmem:$0x18400] =	vst v63  }
0x7e: {  	v3 =	vadd.s32 v1, v3  }
0x7f: {  	[tilespmem:s30], [sflag:$0x3] =	stream.indirect_vreg.gather [hbm4b:s6+s3], $0x80, v4, vm0, $0xb8;
	[tilespmem:$0x18400] =	vst v63  }
0x80: {  	_ = 	snop  }
0x81: {  	[tilespmem:s17], [sflag:$0x3] =	stream.indirect_vreg.gather [hbm4b:s7+s3], $0x80, v4, vm0, $0xb8;
	[tilespmem:$0x18400] =	vst v63  }
0x82: {  	_ = 	snop  }
0x83: {  	[tilespmem:s18], [sflag:$0x3] =	stream.indirect_vreg.gather [hbm4b:s2+s3], $0x80, v3, vm0, $0xb8;
	[tilespmem:$0x18400] =	vst v63  }
0x84: {  	_ = 	snop  }
0x85: {  	[tilespmem:s29], [sflag:$0x3] =	stream.indirect_vreg.gather [hbm4b:s5+s3], $0x80, v3, vm0, $0xb8;
	[tilespmem:$0x18400] =	vst v63  }
0x86: {  	_ = 	snop  }
0x87: {  	[tilespmem:s19], [sflag:$0x3] =	stream.indirect_vreg.gather [hbm4b:s6+s3], $0x80, v3, vm0, $0xb8;
	[tilespmem:$0x18400] =	vst v63  }
0x88: {  	_ = 	snop  }
0x89: {  	[tilespmem:s1], [sflag:$0x3] =	stream.indirect_vreg.gather [hbm4b:s7+s3], $0x80, v3, vm0, $0xb8;
	[tilespmem:$0x18400] =	vst v63  }
0x8a: {  	v3 =	vld [tilespmem:$0x50];
	_ =	sdelay $0x4  }
0x8b: {  	v63 =	vshll.u32 v3, $0x3  }
0x8c: {  	v3 =	vand.u32 $0x7, v3;
	v4 =	vand.u32 $0xFFFFFFC0, v63  }
0x8d: {  	v3 =	vor.u32 v3, v4  }
0x8e: {  	v4 =	vperm.xlane v3, v0;
	_ =	sdelay $0x1  }
0x8f: {  	v4 =	vadd.s32 v1, v4;
	_ =	sdelay $0x4  }
0x90: {  	[tilespmem:s20], [sflag:$0x3] =	stream.indirect_vreg.gather [hbm4b:s2+s3], $0x80, v4, vm0, $0xb8;
	[tilespmem:$0x18400] =	vst v63  }
0x91: {  	v3 =	vperm.xlane v3, v2  }
0x92: {  	[tilespmem:s4], [sflag:$0x3] =	stream.indirect_vreg.gather [hbm4b:s5+s3], $0x80, v4, vm0, $0xb8;
	[tilespmem:$0x18400] =	vst v63  }
0x93: {  	v3 =	vadd.s32 v1, v3  }
0x94: {  	[tilespmem:s21], [sflag:$0x3] =	stream.indirect_vreg.gather [hbm4b:s6+s3], $0x80, v4, vm0, $0xb8;
	[tilespmem:$0x18400] =	vst v63  }
0x95: {  	_ = 	snop  }
0x96: {  	[tilespmem:s8], [sflag:$0x3] =	stream.indirect_vreg.gather [hbm4b:s7+s3], $0x80, v4, vm0, $0xb8;
	[tilespmem:$0x18400] =	vst v63  }
0x97: {  	_ = 	snop  }
0x98: {  	[tilespmem:s9], [sflag:$0x3] =	stream.indirect_vreg.gather [hbm4b:s2+s3], $0x80, v3, vm0, $0xb8;
	[tilespmem:$0x18400] =	vst v63  }
0x99: {  	s31 =	simm.s32 $0x12C00  }
0x9a: {  	[tilespmem:s23], [sflag:$0x3] =	stream.indirect_vreg.gather [hbm4b:s5+s3], $0x80, v3, vm0, $0xb8;
	[tilespmem:$0x18400] =	vst v63  }
0x9b: {  	s14 =	simm.s32 $0xB0;
	s17 =	simm.s32 $0x11C00;
	s29 =	simm.s32 $0x0  }
0x9c: {  	[tilespmem:s10], [sflag:$0x3] =	stream.indirect_vreg.gather [hbm4b:s6+s3], $0x80, v3, vm0, $0xb8;
	[tilespmem:$0x18400] =	vst v63  }
0x9d: {  	s19 =	simm.s32 $0x13400;
	s20 =	simm.s32 $0x14400;
	s21 =	simm.s32 $0x15400  }
0x9e: {  	[tilespmem:s24], [sflag:$0x3] =	stream.indirect_vreg.gather [hbm4b:s7+s3], $0x80, v3, vm0, $0xb8;
	[tilespmem:$0x18400] =	vst v63  }
.LBB2_2:
0x9f: {  	_ =	swait.ge [sflag:s11], $0x8000  }
0xa0: {  	s16 =	rddreg [dreg:$0x4];
	[sflag:s11] =	ssyncset.done $0x0  }
0xa1: {  	[sflag:s11] =	ssyncadd.s32 $0xFFFF8000;
	s16 =	sadd.s32 s29, s16  }
0xa2: {  	[hbm4b:s16+s3] =	stream.linear.scatter [tilespmem:s15], [sflag:$0x4], $0x8000, $0x38;
	[tilespmem:$0x18400] =	vst v63  }
0xa3: {  	_ =	swait.ge [sflag:s25], $0x8000  }
0xa4: {  	[sflag:s25] =	ssyncset.done $0x0  }
0xa5: {  	[sflag:s25] =	ssyncadd.s32 $0xFFFF8000  }
0xa6: {  	v3 =	vld [tilespmem:s14+$0xFFFFFFB0];
	_ =	sdelay $0x4  }
0xa7: {  	v4 =	vshll.u32 v3, $0x3  }
0xa8: {  	v3 =	vand.u32 $0x7, v3;
	v4 =	vand.u32 $0xFFFFFFC0, v4  }
0xa9: {  	v3 =	vor.u32 v3, v4  }
0xaa: {  	v4 =	vperm.xlane v3, v0;
	_ =	sdelay $0x1  }
0xab: {  	v4 =	vadd.s32 v1, v4;
	_ =	sdelay $0x4  }
0xac: {  	[tilespmem:s15], [sflag:$0x1] =	stream.indirect_vreg.gather [hbm4b:s2+s3], $0x80, v4, vm0, $0xb8;
	[tilespmem:$0x18400] =	vst v63  }
0xad: {  	s30 =	simm.s32 $0xC00;
	v3 =	vperm.xlane v3, v2  }
0xae: {  	[tilespmem:s30], [sflag:$0x1] =	stream.indirect_vreg.gather [hbm4b:s5+s3], $0x80, v4, vm0, $0xb8;
	[tilespmem:$0x18400] =	vst v63  }
0xaf: {  	v3 =	vadd.s32 v1, v3;
	s30 =	simm.s32 $0x1400  }
0xb0: {  	[tilespmem:s30], [sflag:$0x1] =	stream.indirect_vreg.gather [hbm4b:s6+s3], $0x80, v4, vm0, $0xb8;
	[tilespmem:$0x18400] =	vst v63  }
0xb1: {  	s30 =	simm.s32 $0x1C00  }
0xb2: {  	[tilespmem:s30], [sflag:$0x1] =	stream.indirect_vreg.gather [hbm4b:s7+s3], $0x80, v4, vm0, $0xb8;
	[tilespmem:$0x18400] =	vst v63  }
0xb3: {  	s30 =	simm.s32 $0x2400  }
0xb4: {  	[tilespmem:s30], [sflag:$0x1] =	stream.indirect_vreg.gather [hbm4b:s2+s3], $0x80, v3, vm0, $0xb8;
	[tilespmem:$0x18400] =	vst v63  }
0xb5: {  	s30 =	simm.s32 $0x2C00  }
0xb6: {  	[tilespmem:s30], [sflag:$0x1] =	stream.indirect_vreg.gather [hbm4b:s5+s3], $0x80, v3, vm0, $0xb8;
	[tilespmem:$0x18400] =	vst v63  }
0xb7: {  	s30 =	simm.s32 $0x3400  }
0xb8: {  	[tilespmem:s30], [sflag:$0x1] =	stream.indirect_vreg.gather [hbm4b:s6+s3], $0x80, v3, vm0, $0xb8;
	[tilespmem:$0x18400] =	vst v63  }
0xb9: {  	s30 =	simm.s32 $0x3C00  }
0xba: {  	[tilespmem:s30], [sflag:$0x1] =	stream.indirect_vreg.gather [hbm4b:s7+s3], $0x80, v3, vm0, $0xb8;
	[tilespmem:$0x18400] =	vst v63  }
0xbb: {  	v3 =	vld [tilespmem:s14+$0xFFFFFFC0];
	_ =	sdelay $0x4  }
0xbc: {  	v59 =	vshll.u32 v3, $0x3  }
0xbd: {  	v3 =	vand.u32 $0x7, v3;
	v4 =	vand.u32 $0xFFFFFFC0, v59  }
0xbe: {  	v3 =	vor.u32 v3, v4  }
0xbf: {  	v4 =	vperm.xlane v3, v0;
	_ =	sdelay $0x1  }
0xc0: {  	v4 =	vadd.s32 v1, v4;
	_ =	sdelay $0x3  }
0xc1: {  	s30 =	simm.s32 $0x4400  }
0xc2: {  	[tilespmem:s30], [sflag:$0x1] =	stream.indirect_vreg.gather [hbm4b:s2+s3], $0x80, v4, vm0, $0xb8;
	[tilespmem:$0x18400] =	vst v63  }
0xc3: {  	v3 =	vperm.xlane v3, v2;
	s30 =	simm.s32 $0x4C00  }
0xc4: {  	[tilespmem:s30], [sflag:$0x1] =	stream.indirect_vreg.gather [hbm4b:s5+s3], $0x80, v4, vm0, $0xb8;
	[tilespmem:$0x18400] =	vst v63  }
0xc5: {  	v3 =	vadd.s32 v1, v3;
	s30 =	simm.s32 $0x5400  }
0xc6: {  	[tilespmem:s30], [sflag:$0x1] =	stream.indirect_vreg.gather [hbm4b:s6+s3], $0x80, v4, vm0, $0xb8;
	[tilespmem:$0x18400] =	vst v63  }
0xc7: {  	s30 =	simm.s32 $0x5C00  }
0xc8: {  	[tilespmem:s30], [sflag:$0x1] =	stream.indirect_vreg.gather [hbm4b:s7+s3], $0x80, v4, vm0, $0xb8;
	[tilespmem:$0x18400] =	vst v63  }
0xc9: {  	s30 =	simm.s32 $0x6400  }
0xca: {  	[tilespmem:s30], [sflag:$0x1] =	stream.indirect_vreg.gather [hbm4b:s2+s3], $0x80, v3, vm0, $0xb8;
	[tilespmem:$0x18400] =	vst v63  }
0xcb: {  	s30 =	simm.s32 $0x6C00  }
0xcc: {  	[tilespmem:s30], [sflag:$0x1] =	stream.indirect_vreg.gather [hbm4b:s5+s3], $0x80, v3, vm0, $0xb8;
	[tilespmem:$0x18400] =	vst v63  }
0xcd: {  	s30 =	simm.s32 $0x7400  }
0xce: {  	[tilespmem:s30], [sflag:$0x1] =	stream.indirect_vreg.gather [hbm4b:s6+s3], $0x80, v3, vm0, $0xb8;
	[tilespmem:$0x18400] =	vst v63  }
0xcf: {  	s30 =	simm.s32 $0x7C00  }
0xd0: {  	[tilespmem:s30], [sflag:$0x1] =	stream.indirect_vreg.gather [hbm4b:s7+s3], $0x80, v3, vm0, $0xb8;
	[tilespmem:$0x18400] =	vst v63  }
0xd1: {  	_ =	swait.ge [sflag:s12], $0x8000  }
0xd2: {  	[sflag:s12] =	ssyncset.done $0x0  }
0xd3: {  	s30 =	sadd.s32 $0x1000, s16;
	[sflag:s12] =	ssyncadd.s32 $0xFFFF8000  }
0xd4: {  	[hbm4b:s30+s3] =	stream.linear.scatter [tilespmem:s0], [sflag:$0x5], $0x8000, $0x38;
	[tilespmem:$0x18400] =	vst v63  }
0xd5: {  	_ =	swait.ge [sflag:s26], $0x8000  }
0xd6: {  	[sflag:s26] =	ssyncset.done $0x0  }
0xd7: {  	[sflag:s26] =	ssyncadd.s32 $0xFFFF8000  }
0xd8: {  	v3 =	vld [tilespmem:s14+$0xFFFFFFD0];
	_ =	sdelay $0x4  }
0xd9: {  	v60 =	vshll.u32 v3, $0x3  }
0xda: {  	v3 =	vand.u32 $0x7, v3;
	v4 =	vand.u32 $0xFFFFFFC0, v60  }
0xdb: {  	v3 =	vor.u32 v3, v4  }
0xdc: {  	v4 =	vperm.xlane v3, v0;
	_ =	sdelay $0x1  }
0xdd: {  	v4 =	vadd.s32 v1, v4;
	_ =	sdelay $0x4  }
0xde: {  	[tilespmem:s0], [sflag:$0x2] =	stream.indirect_vreg.gather [hbm4b:s2+s3], $0x80, v4, vm0, $0xb8;
	[tilespmem:$0x18400] =	vst v63  }
0xdf: {  	s30 =	simm.s32 $0x8C00;
	v3 =	vperm.xlane v3, v2  }
0xe0: {  	[tilespmem:s30], [sflag:$0x2] =	stream.indirect_vreg.gather [hbm4b:s5+s3], $0x80, v4, vm0, $0xb8;
	[tilespmem:$0x18400] =	vst v63  }
0xe1: {  	v3 =	vadd.s32 v1, v3;
	s30 =	simm.s32 $0x9400  }
0xe2: {  	[tilespmem:s30], [sflag:$0x2] =	stream.indirect_vreg.gather [hbm4b:s6+s3], $0x80, v4, vm0, $0xb8;
	[tilespmem:$0x18400] =	vst v63  }
0xe3: {  	s30 =	simm.s32 $0x9C00  }
0xe4: {  	[tilespmem:s30], [sflag:$0x2] =	stream.indirect_vreg.gather [hbm4b:s7+s3], $0x80, v4, vm0, $0xb8;
	[tilespmem:$0x18400] =	vst v63  }
0xe5: {  	s30 =	simm.s32 $0xA400  }
0xe6: {  	[tilespmem:s30], [sflag:$0x2] =	stream.indirect_vreg.gather [hbm4b:s2+s3], $0x80, v3, vm0, $0xb8;
	[tilespmem:$0x18400] =	vst v63  }
0xe7: {  	s30 =	simm.s32 $0xAC00  }
0xe8: {  	[tilespmem:s30], [sflag:$0x2] =	stream.indirect_vreg.gather [hbm4b:s5+s3], $0x80, v3, vm0, $0xb8;
	[tilespmem:$0x18400] =	vst v63  }
0xe9: {  	s30 =	simm.s32 $0xB400  }
0xea: {  	[tilespmem:s30], [sflag:$0x2] =	stream.indirect_vreg.gather [hbm4b:s6+s3], $0x80, v3, vm0, $0xb8;
	[tilespmem:$0x18400] =	vst v63  }
0xeb: {  	s30 =	simm.s32 $0xBC00  }
0xec: {  	[tilespmem:s30], [sflag:$0x2] =	stream.indirect_vreg.gather [hbm4b:s7+s3], $0x80, v3, vm0, $0xb8;
	[tilespmem:$0x18400] =	vst v63  }
0xed: {  	v3 =	vld [tilespmem:s14+$0xFFFFFFE0];
	_ =	sdelay $0x4  }
0xee: {  	v61 =	vshll.u32 v3, $0x3  }
0xef: {  	v3 =	vand.u32 $0x7, v3;
	v4 =	vand.u32 $0xFFFFFFC0, v61  }
0xf0: {  	v3 =	vor.u32 v3, v4  }
0xf1: {  	v4 =	vperm.xlane v3, v0;
	_ =	sdelay $0x1  }
0xf2: {  	v4 =	vadd.s32 v1, v4;
	_ =	sdelay $0x3  }
0xf3: {  	s30 =	simm.s32 $0xC400  }
0xf4: {  	[tilespmem:s30], [sflag:$0x2] =	stream.indirect_vreg.gather [hbm4b:s2+s3], $0x80, v4, vm0, $0xb8;
	[tilespmem:$0x18400] =	vst v63  }
0xf5: {  	v3 =	vperm.xlane v3, v2;
	s30 =	simm.s32 $0xCC00  }
0xf6: {  	[tilespmem:s30], [sflag:$0x2] =	stream.indirect_vreg.gather [hbm4b:s5+s3], $0x80, v4, vm0, $0xb8;
	[tilespmem:$0x18400] =	vst v63  }
0xf7: {  	v3 =	vadd.s32 v1, v3;
	s30 =	simm.s32 $0xD400  }
0xf8: {  	[tilespmem:s30], [sflag:$0x2] =	stream.indirect_vreg.gather [hbm4b:s6+s3], $0x80, v4, vm0, $0xb8;
	[tilespmem:$0x18400] =	vst v63  }
0xf9: {  	s18 =	simm.s32 $0xDC00  }
0xfa: {  	[tilespmem:s18], [sflag:$0x2] =	stream.indirect_vreg.gather [hbm4b:s7+s3], $0x80, v4, vm0, $0xb8;
	[tilespmem:$0x18400] =	vst v63  }
0xfb: {  	s8 =	simm.s32 $0xE400  }
0xfc: {  	[tilespmem:s8], [sflag:$0x2] =	stream.indirect_vreg.gather [hbm4b:s2+s3], $0x80, v3, vm0, $0xb8;
	[tilespmem:$0x18400] =	vst v63  }
0xfd: {  	s1 =	simm.s32 $0xEC00  }
0xfe: {  	[tilespmem:s1], [sflag:$0x2] =	stream.indirect_vreg.gather [hbm4b:s5+s3], $0x80, v3, vm0, $0xb8;
	[tilespmem:$0x18400] =	vst v63  }
0xff: {  	s4 =	simm.s32 $0xF400  }
0x100: {  	[tilespmem:s4], [sflag:$0x2] =	stream.indirect_vreg.gather [hbm4b:s6+s3], $0x80, v3, vm0, $0xb8;
	[tilespmem:$0x18400] =	vst v63  }
0x101: {  	s8 =	simm.s32 $0xFC00  }
0x102: {  	[tilespmem:s8], [sflag:$0x2] =	stream.indirect_vreg.gather [hbm4b:s7+s3], $0x80, v3, vm0, $0xb8;
	[tilespmem:$0x18400] =	vst v63  }
0x103: {  	_ =	swait.ge [sflag:s13], $0x8000  }
0x104: {  	[sflag:s13] =	ssyncset.done $0x0  }
0x105: {  	s16 =	sadd.s32 $0x2000, s16;
	[sflag:s13] =	ssyncadd.s32 $0xFFFF8000  }
0x106: {  	[hbm4b:s16+s3] =	stream.linear.scatter [tilespmem:s22], [sflag:$0x6], $0x8000, $0x38;
	[tilespmem:$0x18400] =	vst v63  }
0x107: {  	_ =	swait.ge [sflag:s28], $0x8000  }
0x108: {  	[sflag:s28] =	ssyncset.done $0x0  }
0x109: {  	[sflag:s28] =	ssyncadd.s32 $0xFFFF8000  }
0x10a: {  	v3 =	vld [tilespmem:s14+$0xFFFFFFF0];
	_ =	sdelay $0x4  }
0x10b: {  	v62 =	vshll.u32 v3, $0x3  }
0x10c: {  	v3 =	vand.u32 $0x7, v3;
	v4 =	vand.u32 $0xFFFFFFC0, v62  }
0x10d: {  	v3 =	vor.u32 v3, v4  }
0x10e: {  	v4 =	vperm.xlane v3, v0;
	_ =	sdelay $0x1  }
0x10f: {  	v4 =	vadd.s32 v1, v4;
	_ =	sdelay $0x4  }
0x110: {  	[tilespmem:s22], [sflag:$0x3] =	stream.indirect_vreg.gather [hbm4b:s2+s3], $0x80, v4, vm0, $0xb8;
	[tilespmem:$0x18400] =	vst v63  }
0x111: {  	s16 =	simm.s32 $0x10C00;
	v3 =	vperm.xlane v3, v2  }
0x112: {  	[tilespmem:s16], [sflag:$0x3] =	stream.indirect_vreg.gather [hbm4b:s5+s3], $0x80, v4, vm0, $0xb8;
	[tilespmem:$0x18400] =	vst v63  }
0x113: {  	s30 =	simm.s32 $0x11400;
	v3 =	vadd.s32 v1, v3  }
0x114: {  	[tilespmem:s30], [sflag:$0x3] =	stream.indirect_vreg.gather [hbm4b:s6+s3], $0x80, v4, vm0, $0xb8;
	[tilespmem:$0x18400] =	vst v63  }
0x115: {  	_ = 	snop  }
0x116: {  	[tilespmem:s17], [sflag:$0x3] =	stream.indirect_vreg.gather [hbm4b:s7+s3], $0x80, v4, vm0, $0xb8;
	[tilespmem:$0x18400] =	vst v63  }
0x117: {  	s18 =	simm.s32 $0x12400  }
0x118: {  	[tilespmem:s18], [sflag:$0x3] =	stream.indirect_vreg.gather [hbm4b:s2+s3], $0x80, v3, vm0, $0xb8;
	[tilespmem:$0x18400] =	vst v63  }
0x119: {  	_ = 	snop  }
0x11a: {  	[tilespmem:s31], [sflag:$0x3] =	stream.indirect_vreg.gather [hbm4b:s5+s3], $0x80, v3, vm0, $0xb8;
	[tilespmem:$0x18400] =	vst v63  }
0x11b: {  	_ = 	snop  }
0x11c: {  	[tilespmem:s19], [sflag:$0x3] =	stream.indirect_vreg.gather [hbm4b:s6+s3], $0x80, v3, vm0, $0xb8;
	[tilespmem:$0x18400] =	vst v63  }
0x11d: {  	s1 =	simm.s32 $0x13C00  }
0x11e: {  	[tilespmem:s1], [sflag:$0x3] =	stream.indirect_vreg.gather [hbm4b:s7+s3], $0x80, v3, vm0, $0xb8;
	[tilespmem:$0x18400] =	vst v63  }
0x11f: {  	v3 =	vld [tilespmem:s14+$0x0];
	_ =	sdelay $0x4  }
0x120: {  	v63 =	vshll.u32 v3, $0x3  }
0x121: {  	v3 =	vand.u32 $0x7, v3;
	v4 =	vand.u32 $0xFFFFFFC0, v63  }
0x122: {  	v3 =	vor.u32 v3, v4  }
0x123: {  	v4 =	vperm.xlane v3, v0;
	_ =	sdelay $0x1  }
0x124: {  	v4 =	vadd.s32 v1, v4;
	_ =	sdelay $0x4  }
0x125: {  	[tilespmem:s20], [sflag:$0x3] =	stream.indirect_vreg.gather [hbm4b:s2+s3], $0x80, v4, vm0, $0xb8;
	[tilespmem:$0x18400] =	vst v63  }
0x126: {  	s4 =	simm.s32 $0x14C00;
	v3 =	vperm.xlane v3, v2  }
0x127: {  	[tilespmem:s4], [sflag:$0x3] =	stream.indirect_vreg.gather [hbm4b:s5+s3], $0x80, v4, vm0, $0xb8;
	[tilespmem:$0x18400] =	vst v63  }
0x128: {  	v3 =	vadd.s32 v1, v3  }
0x129: {  	[tilespmem:s21], [sflag:$0x3] =	stream.indirect_vreg.gather [hbm4b:s6+s3], $0x80, v4, vm0, $0xb8;
	[tilespmem:$0x18400] =	vst v63  }
0x12a: {  	s8 =	simm.s32 $0x15C00  }
0x12b: {  	[tilespmem:s8], [sflag:$0x3] =	stream.indirect_vreg.gather [hbm4b:s7+s3], $0x80, v4, vm0, $0xb8;
	[tilespmem:$0x18400] =	vst v63  }
0x12c: {  	_ = 	snop  }
0x12d: {  	[tilespmem:s9], [sflag:$0x3] =	stream.indirect_vreg.gather [hbm4b:s2+s3], $0x80, v3, vm0, $0xb8;
	[tilespmem:$0x18400] =	vst v63  }
0x12e: {  	p0 =	sne.s32 s29, $0x18000  }
0x12f: {  	[tilespmem:s23], [sflag:$0x3] =	stream.indirect_vreg.gather [hbm4b:s5+s3], $0x80, v3, vm0, $0xb8;
	[tilespmem:$0x18400] =	vst v63  }
.Ltmp0:
0x130: {  	_ = 	snop;
	(pc) =	sbr.rel @p0 .LBB2_2-.Ltmp0, $4  }
0x131: {  	_ = 	snop  }
0x132: {  	[tilespmem:s10], [sflag:$0x3] =	stream.indirect_vreg.gather [hbm4b:s6+s3], $0x80, v3, vm0, $0xb8;
	[tilespmem:$0x18400] =	vst v63  }
0x133: {  	s29 =	sadd.s32 $0x3000, s29;
	s14 =	sadd.s32 $0x60, s14  }
0x134: {  	[tilespmem:s24], [sflag:$0x3] =	stream.indirect_vreg.gather [hbm4b:s7+s3], $0x80, v3, vm0, $0xb8;
	[tilespmem:$0x18400] =	vst v63  }
0x135: {  	_ =	swait.ge [sflag:s11], $0x8000  }
0x136: {  	[sflag:s11] =	ssyncset.done $0x0  }
0x137: {  	s14 =	rddreg [dreg:$0x6];
	[sflag:s11] =	ssyncadd.s32 $0xFFFF8000  }
0x138: {  	[hbm4b:s14+s3] =	stream.linear.scatter [tilespmem:s15], [sflag:$0x4], $0x8000, $0x38;
	[tilespmem:$0x18400] =	vst v63  }
0x139: {  	_ =	swait.ge [sflag:s25], $0x8000  }
0x13a: {  	[sflag:s25] =	ssyncset.done $0x0  }
0x13b: {  	[sflag:s25] =	ssyncadd.s32 $0xFFFF8000  }
0x13c: {  	v3 =	vld [tilespmem:$0x3C0];
	_ =	sdelay $0x4  }
0x13d: {  	v4 =	vshll.u32 v3, $0x3  }
0x13e: {  	v3 =	vand.u32 $0x7, v3;
	v4 =	vand.u32 $0xFFFFFFC0, v4  }
0x13f: {  	v3 =	vor.u32 v3, v4  }
0x140: {  	v4 =	vperm.xlane v3, v0;
	_ =	sdelay $0x1  }
0x141: {  	v4 =	vadd.s32 v1, v4;
	_ =	sdelay $0x4  }
0x142: {  	[tilespmem:s15], [sflag:$0x1] =	stream.indirect_vreg.gather [hbm4b:s2+s3], $0x80, v4, vm0, $0xb8;
	[tilespmem:$0x18400] =	vst v63  }
0x143: {  	s19 =	simm.s32 $0xC00;
	v3 =	vperm.xlane v3, v2  }
0x144: {  	[tilespmem:s19], [sflag:$0x1] =	stream.indirect_vreg.gather [hbm4b:s5+s3], $0x80, v4, vm0, $0xb8;
	[tilespmem:$0x18400] =	vst v63  }
0x145: {  	s20 =	simm.s32 $0x1400;
	v3 =	vadd.s32 v1, v3  }
0x146: {  	[tilespmem:s20], [sflag:$0x1] =	stream.indirect_vreg.gather [hbm4b:s6+s3], $0x80, v4, vm0, $0xb8;
	[tilespmem:$0x18400] =	vst v63  }
0x147: {  	s21 =	simm.s32 $0x1C00  }
0x148: {  	[tilespmem:s21], [sflag:$0x1] =	stream.indirect_vreg.gather [hbm4b:s7+s3], $0x80, v4, vm0, $0xb8;
	[tilespmem:$0x18400] =	vst v63  }
0x149: {  	s17 =	simm.s32 $0x2400  }
0x14a: {  	[tilespmem:s17], [sflag:$0x1] =	stream.indirect_vreg.gather [hbm4b:s2+s3], $0x80, v3, vm0, $0xb8;
	[tilespmem:$0x18400] =	vst v63  }
0x14b: {  	s19 =	simm.s32 $0x2C00  }
0x14c: {  	[tilespmem:s19], [sflag:$0x1] =	stream.indirect_vreg.gather [hbm4b:s5+s3], $0x80, v3, vm0, $0xb8;
	[tilespmem:$0x18400] =	vst v63  }
0x14d: {  	s20 =	simm.s32 $0x3400  }
0x14e: {  	[tilespmem:s20], [sflag:$0x1] =	stream.indirect_vreg.gather [hbm4b:s6+s3], $0x80, v3, vm0, $0xb8;
	[tilespmem:$0x18400] =	vst v63  }
0x14f: {  	s21 =	simm.s32 $0x3C00  }
0x150: {  	[tilespmem:s21], [sflag:$0x1] =	stream.indirect_vreg.gather [hbm4b:s7+s3], $0x80, v3, vm0, $0xb8;
	[tilespmem:$0x18400] =	vst v63  }
0x151: {  	v3 =	vld [tilespmem:$0x3D0];
	_ =	sdelay $0x4  }
0x152: {  	v61 =	vshll.u32 v3, $0x3  }
0x153: {  	v3 =	vand.u32 $0x7, v3;
	v4 =	vand.u32 $0xFFFFFFC0, v61  }
0x154: {  	v3 =	vor.u32 v3, v4  }
0x155: {  	v4 =	vperm.xlane v3, v0;
	_ =	sdelay $0x1  }
0x156: {  	v4 =	vadd.s32 v1, v4;
	_ =	sdelay $0x3  }
0x157: {  	s17 =	simm.s32 $0x4400  }
0x158: {  	[tilespmem:s17], [sflag:$0x1] =	stream.indirect_vreg.gather [hbm4b:s2+s3], $0x80, v4, vm0, $0xb8;
	[tilespmem:$0x18400] =	vst v63  }
0x159: {  	s19 =	simm.s32 $0x4C00;
	v3 =	vperm.xlane v3, v2  }
0x15a: {  	[tilespmem:s19], [sflag:$0x1] =	stream.indirect_vreg.gather [hbm4b:s5+s3], $0x80, v4, vm0, $0xb8;
	[tilespmem:$0x18400] =	vst v63  }
0x15b: {  	s20 =	simm.s32 $0x5400;
	v3 =	vadd.s32 v1, v3  }
0x15c: {  	[tilespmem:s20], [sflag:$0x1] =	stream.indirect_vreg.gather [hbm4b:s6+s3], $0x80, v4, vm0, $0xb8;
	[tilespmem:$0x18400] =	vst v63  }
0x15d: {  	s21 =	simm.s32 $0x5C00  }
0x15e: {  	[tilespmem:s21], [sflag:$0x1] =	stream.indirect_vreg.gather [hbm4b:s7+s3], $0x80, v4, vm0, $0xb8;
	[tilespmem:$0x18400] =	vst v63  }
0x15f: {  	s17 =	simm.s32 $0x6400  }
0x160: {  	[tilespmem:s17], [sflag:$0x1] =	stream.indirect_vreg.gather [hbm4b:s2+s3], $0x80, v3, vm0, $0xb8;
	[tilespmem:$0x18400] =	vst v63  }
0x161: {  	s19 =	simm.s32 $0x6C00  }
0x162: {  	[tilespmem:s19], [sflag:$0x1] =	stream.indirect_vreg.gather [hbm4b:s5+s3], $0x80, v3, vm0, $0xb8;
	[tilespmem:$0x18400] =	vst v63  }
0x163: {  	s20 =	simm.s32 $0x7400  }
0x164: {  	[tilespmem:s20], [sflag:$0x1] =	stream.indirect_vreg.gather [hbm4b:s6+s3], $0x80, v3, vm0, $0xb8;
	[tilespmem:$0x18400] =	vst v63  }
0x165: {  	s21 =	simm.s32 $0x7C00  }
0x166: {  	[tilespmem:s21], [sflag:$0x1] =	stream.indirect_vreg.gather [hbm4b:s7+s3], $0x80, v3, vm0, $0xb8;
	[tilespmem:$0x18400] =	vst v63  }
0x167: {  	_ =	swait.ge [sflag:s12], $0x8000  }
0x168: {  	[sflag:s12] =	ssyncset.done $0x0  }
0x169: {  	s17 =	rddreg [dreg:$0x7];
	[sflag:s12] =	ssyncadd.s32 $0xFFFF8000  }
0x16a: {  	[hbm4b:s17+s3] =	stream.linear.scatter [tilespmem:s0], [sflag:$0x5], $0x8000, $0x38;
	[tilespmem:$0x18400] =	vst v63  }
0x16b: {  	_ =	swait.ge [sflag:s26], $0x8000  }
0x16c: {  	[sflag:s26] =	ssyncset.done $0x0  }
0x16d: {  	[sflag:s26] =	ssyncadd.s32 $0xFFFF8000  }
0x16e: {  	v3 =	vld [tilespmem:$0x3E0];
	_ =	sdelay $0x4  }
0x16f: {  	v62 =	vshll.u32 v3, $0x3  }
0x170: {  	v3 =	vand.u32 $0x7, v3;
	v4 =	vand.u32 $0xFFFFFFC0, v62  }
0x171: {  	v3 =	vor.u32 v3, v4  }
0x172: {  	v4 =	vperm.xlane v3, v0;
	_ =	sdelay $0x1  }
0x173: {  	v4 =	vadd.s32 v1, v4;
	_ =	sdelay $0x4  }
0x174: {  	[tilespmem:s0], [sflag:$0x2] =	stream.indirect_vreg.gather [hbm4b:s2+s3], $0x80, v4, vm0, $0xb8;
	[tilespmem:$0x18400] =	vst v63  }
0x175: {  	s19 =	simm.s32 $0x8C00;
	v3 =	vperm.xlane v3, v2  }
0x176: {  	[tilespmem:s19], [sflag:$0x2] =	stream.indirect_vreg.gather [hbm4b:s5+s3], $0x80, v4, vm0, $0xb8;
	[tilespmem:$0x18400] =	vst v63  }
0x177: {  	s20 =	simm.s32 $0x9400;
	v3 =	vadd.s32 v1, v3  }
0x178: {  	[tilespmem:s20], [sflag:$0x2] =	stream.indirect_vreg.gather [hbm4b:s6+s3], $0x80, v4, vm0, $0xb8;
	[tilespmem:$0x18400] =	vst v63  }
0x179: {  	s21 =	simm.s32 $0x9C00  }
0x17a: {  	[tilespmem:s21], [sflag:$0x2] =	stream.indirect_vreg.gather [hbm4b:s7+s3], $0x80, v4, vm0, $0xb8;
	[tilespmem:$0x18400] =	vst v63  }
0x17b: {  	s17 =	simm.s32 $0xA400  }
0x17c: {  	[tilespmem:s17], [sflag:$0x2] =	stream.indirect_vreg.gather [hbm4b:s2+s3], $0x80, v3, vm0, $0xb8;
	[tilespmem:$0x18400] =	vst v63  }
0x17d: {  	s19 =	simm.s32 $0xAC00  }
0x17e: {  	[tilespmem:s19], [sflag:$0x2] =	stream.indirect_vreg.gather [hbm4b:s5+s3], $0x80, v3, vm0, $0xb8;
	[tilespmem:$0x18400] =	vst v63  }
0x17f: {  	s20 =	simm.s32 $0xB400  }
0x180: {  	[tilespmem:s20], [sflag:$0x2] =	stream.indirect_vreg.gather [hbm4b:s6+s3], $0x80, v3, vm0, $0xb8;
	[tilespmem:$0x18400] =	vst v63  }
0x181: {  	s21 =	simm.s32 $0xBC00  }
0x182: {  	[tilespmem:s21], [sflag:$0x2] =	stream.indirect_vreg.gather [hbm4b:s7+s3], $0x80, v3, vm0, $0xb8;
	[tilespmem:$0x18400] =	vst v63  }
0x183: {  	v3 =	vld [tilespmem:$0x3F0];
	_ =	sdelay $0x4  }
0x184: {  	v63 =	vshll.u32 v3, $0x3  }
0x185: {  	v3 =	vand.u32 $0x7, v3;
	v4 =	vand.u32 $0xFFFFFFC0, v63  }
0x186: {  	v3 =	vor.u32 v3, v4  }
0x187: {  	v4 =	vperm.xlane v3, v0;
	_ =	sdelay $0x1  }
0x188: {  	v4 =	vadd.s32 v1, v4;
	_ =	sdelay $0x3  }
0x189: {  	s17 =	simm.s32 $0xC400  }
0x18a: {  	[tilespmem:s17], [sflag:$0x2] =	stream.indirect_vreg.gather [hbm4b:s2+s3], $0x80, v4, vm0, $0xb8;
	[tilespmem:$0x18400] =	vst v63  }
0x18b: {  	s19 =	simm.s32 $0xCC00;
	v3 =	vperm.xlane v3, v2  }
0x18c: {  	[tilespmem:s19], [sflag:$0x2] =	stream.indirect_vreg.gather [hbm4b:s5+s3], $0x80, v4, vm0, $0xb8;
	[tilespmem:$0x18400] =	vst v63  }
0x18d: {  	s20 =	simm.s32 $0xD400;
	v3 =	vadd.s32 v1, v3  }
0x18e: {  	[tilespmem:s20], [sflag:$0x2] =	stream.indirect_vreg.gather [hbm4b:s6+s3], $0x80, v4, vm0, $0xb8;
	[tilespmem:$0x18400] =	vst v63  }
0x18f: {  	s21 =	simm.s32 $0xDC00  }
0x190: {  	[tilespmem:s21], [sflag:$0x2] =	stream.indirect_vreg.gather [hbm4b:s7+s3], $0x80, v4, vm0, $0xb8;
	[tilespmem:$0x18400] =	vst v63  }
0x191: {  	s17 =	simm.s32 $0xE400  }
0x192: {  	[tilespmem:s17], [sflag:$0x2] =	stream.indirect_vreg.gather [hbm4b:s2+s3], $0x80, v3, vm0, $0xb8;
	[tilespmem:$0x18400] =	vst v63  }
0x193: {  	s19 =	simm.s32 $0xEC00  }
0x194: {  	[tilespmem:s19], [sflag:$0x2] =	stream.indirect_vreg.gather [hbm4b:s5+s3], $0x80, v3, vm0, $0xb8;
	[tilespmem:$0x18400] =	vst v63  }
0x195: {  	s20 =	simm.s32 $0xF400  }
0x196: {  	[tilespmem:s20], [sflag:$0x2] =	stream.indirect_vreg.gather [hbm4b:s6+s3], $0x80, v3, vm0, $0xb8;
	[tilespmem:$0x18400] =	vst v63  }
0x197: {  	s21 =	simm.s32 $0xFC00  }
0x198: {  	[tilespmem:s21], [sflag:$0x2] =	stream.indirect_vreg.gather [hbm4b:s7+s3], $0x80, v3, vm0, $0xb8;
	[tilespmem:$0x18400] =	vst v63  }
0x199: {  	_ =	swait.ge [sflag:s13], $0x8000  }
0x19a: {  	[sflag:s13] =	ssyncset.done $0x0  }
0x19b: {  	s17 =	rddreg [dreg:$0x8];
	[sflag:s13] =	ssyncadd.s32 $0xFFFF8000  }
0x19c: {  	[hbm4b:s17+s3] =	stream.linear.scatter [tilespmem:s22], [sflag:$0x6], $0x8000, $0x38;
	[tilespmem:$0x18400] =	vst v63  }
0x19d: {  	_ =	swait.ge [sflag:s11], $0x8000  }
0x19e: {  	[sflag:s11] =	ssyncset.done $0x0  }
0x19f: {  	s19 =	rddreg [dreg:$0x9];
	[sflag:s11] =	ssyncadd.s32 $0xFFFF8000  }
0x1a0: {  	[hbm4b:s19+s3] =	stream.linear.scatter [tilespmem:s15], [sflag:$0x4], $0x8000, $0x38;
	[tilespmem:$0x18400] =	vst v63  }
0x1a1: {  	_ =	swait.ge [sflag:s12], $0x8000  }
0x1a2: {  	[sflag:s12] =	ssyncset.done $0x0  }
0x1a3: {  	s20 =	rddreg [dreg:$0xa];
	[sflag:s12] =	ssyncadd.s32 $0xFFFF8000  }
0x1a4: {  	[hbm4b:s20+s3] =	stream.linear.scatter [tilespmem:s0], [sflag:$0x5], $0x8000, $0x38;
	[tilespmem:$0x18400] =	vst v63  }
0x1a5: {  	_ =	swait.ge [sflag:s25], $0x8000  }
0x1a6: {  	[sflag:s25] =	ssyncset.done $0x0  }
0x1a7: {  	[sflag:s25] =	ssyncadd.s32 $0xFFFF8000  }
0x1a8: {  	_ =	swait.ge [sflag:s26], $0x8000  }
0x1a9: {  	[sflag:s26] =	ssyncset.done $0x0  }
0x1aa: {  	[sflag:s26] =	ssyncadd.s32 $0xFFFF8000  }
0x1ab: {  	_ =	swait.ge [sflag:s28], $0x8000  }
0x1ac: {  	s31 =	rddreg [dreg:$0xc]  }
0x1ad: {  	s21 =	rddreg [dreg:$0xb];
	s31 =	sadd.s32 $0x1, s31  }
0x1ae: {  	p0 =	sne.s32 s31, s21  }
.Ltmp1:
0x1af: {  	_ = 	snop;
	(pc) =	sbr.rel @p0 .LBB2_1-.Ltmp1, $4  }
0x1b0: {  	_ = 	snop  }
0x1b1: {  	s29 =	simm.s32 $0x12C00  }
0x1b2: {  	s17 =	simm.s32 $0x11C00;
	s19 =	simm.s32 $0x13400;
	[sflag:s28] =	ssyncset.done $0x0  }
0x1b3: {  	s20 =	simm.s32 $0x14400;
	[sflag:s28] =	ssyncadd.s32 $0xFFFF8000;
	s21 =	simm.s32 $0x15400  }
0x1b4: {  	_ =	sfence.sel $0x180000  }
0x1b5: {  	[bflag:$0x0] =	sbarrier.arrive $0xFFFF  }
0x1b6: {  	_ =	strace $0x90000047  }
0x1b7: {  	s0 =	stileid.u32;
	[bflag:$0x2] =	sbarrier.arrive $0xFFFF  }
0x1b8: {  	p0 =	sne.s32 s0, $0x0;
	s0 =	rddreg [dreg:$0x3]  }
0x1b9: {  	s0 =	sadd.s32 @!p0 $0x100000, s0  }
0x1ba: {  	[sflag:s0] =	ssyncadd.tile.s32 @!p0 $0x1;
	_ =	shalt  }
.Lfunc_end2:
_tile_overlayer_lowered:
.L_overlay_start_2:
0x1bb: {  	(tag) =	ssettag $0x2  }
0x1bc: {  	s0 =	rddreg [dreg:$0x0];
	s2 =	stileid.u32  }
0x1bd: {  	s1 =	rddreg [dreg:$0x1];
	p0 =	sne.s32 s2, $0x0  }
0x1be: {  	s3 =	rddreg [dreg:$0x2];
	[bflag:$0x3] =	sbarrier.arrive $0xFFFF;
	s2 =	simm.s32 @!p0 $0x1C07  }
0x1bf: {  	[timem:s3], [sflag:s2] =	dma.local @!p0 [hbm:s0], s1  }
0x1c0: {  	s0 =	simm.s32 @!p0 $0x7  }
0x1c1: {  	_ =	swait.ge @!p0 [sflag:s0], s1  }
0x1c2: {  	s1 =	ssub.s32 @!p0 $0x0, s1;
	[sflag:s0] =	ssyncset.done @!p0 $0x0  }
0x1c3: {  	[sflag:s0] =	ssyncadd.s32 @!p0 s1  }
0x1c4: {  	[bflag:$0x3] =	sbarrier.arrive $0xFFFF  }
0x1c5: {  	_ =	shalt  }

</sc_bundles>
